<compile_context>
chip_gen: v7x
topology: tpu7x:2x2x1
jax: 0.10.2.dev20260603
libtpu: 0.0.44.dev20260713+nightly
codegen_flags: <defaults>
</compile_context>

<pallas_src>
import functools

import jax
import jax.numpy as jnp
from jax import lax
from jax.experimental import pallas as pl
from jax.experimental.pallas import tpu as pltpu
from jax.experimental.pallas import tpu_sc as plsc

VOCAB = 1000
EMBED_DIM = 128
BATCH = 1024
SEQ = 50

NC, NS = 2, 16
NW = NC * NS
RPW = BATCH // NW

CHUNKS = ((0, 24), (24, 26))

_SC_MESH = plsc.VectorSubcoreMesh(
    core_axis_name="c", subcore_axis_name="s", num_cores=NC, num_subcores=NS)


def _make_sc_embed(s0, sch):
    @functools.partial(
        pl.kernel,
        out_type=jax.ShapeDtypeStruct((sch, BATCH, EMBED_DIM), jnp.float32),
        mesh=_SC_MESH,
        scratch_types=[
            pltpu.VMEM((sch, 128), jnp.int32),
            pltpu.VMEM((2, RPW, EMBED_DIM), jnp.float32),
            pltpu.SemaphoreType.DMA,
            pltpu.SemaphoreType.DMA,
            pltpu.SemaphoreType.DMA,
            pltpu.SemaphoreType.DMA,
        ],
        compiler_params=pltpu.CompilerParams(
            use_tc_tiling_on_sc=True, needs_layout_passes=False),
    )
    def _sc_embed(table_hbm, idxT_hbm, g_hbm,
                  idxT_v, rows_v, g0, g1, w0, w1):
        wid = lax.axis_index("s") * NC + lax.axis_index("c")
        b0 = wid * RPW

        gsem = (g0, g1)
        wsem = (w0, w1)

        lane0 = (b0 // 128) * 128
        off = b0 - lane0
        pltpu.sync_copy(idxT_hbm.at[pl.ds(s0, sch), pl.ds(lane0, 128)], idxT_v)

        def gather(s, slot):
            pltpu.async_copy(table_hbm.at[idxT_v.at[s, pl.ds(off, RPW)]],
                             rows_v.at[slot], gsem[slot])

        def wait_gather(slot):
            pltpu.make_async_copy(
                table_hbm.at[idxT_v.at[0, pl.ds(off, RPW)]],
                rows_v.at[slot], gsem[slot]).wait()

        def write(s, slot):
            pltpu.async_copy(rows_v.at[slot], g_hbm.at[s, pl.ds(b0, RPW)],
                             wsem[slot])

        def wait_write(slot):
            pltpu.make_async_copy(rows_v.at[slot], g_hbm.at[0, pl.ds(b0, RPW)],
                                  wsem[slot]).wait()

        gather(0, 0)
        gather(1, 1)
        wait_gather(0)
        write(0, 0)

        def step(p, carry):
            s = 2 * p
            wait_write(0)
            gather(s, 0)
            wait_gather(1)
            write(s - 1, 1)
            wait_write(1)
            gather(s + 1, 1)
            wait_gather(0)
            write(s, 0)
            return carry

        lax.fori_loop(1, sch // 2, step, 0)

        wait_gather(1)
        write(sch - 1, 1)
        wait_write(0)
        wait_write(1)

    return _sc_embed


def _proj_body(tb, w_ref, b_ref, g_ref, *rest):
    y_ref = rest[-1]
    g = g_ref[...].reshape(tb * BATCH, EMBED_DIM).astype(jnp.bfloat16)
    acc = lax.dot_general(
        w_ref[...], g,
        dimension_numbers=(((1,), (1,)), ((), ())),
        preferred_element_type=jnp.float32,
    ) + b_ref[...]
    for t in range(tb):
        y_ref[t] = acc[:, t * BATCH:(t + 1) * BATCH]


def _make_project(s0, sch, first):
    tb = 4 if (sch % 4 == 0 and s0 % 4 == 0) else 2
    in_specs = [
        pl.BlockSpec((VOCAB, EMBED_DIM), lambda s: (0, 0)),
        pl.BlockSpec((VOCAB, 1), lambda s: (0, 0)),
        pl.BlockSpec((tb, BATCH, EMBED_DIM), lambda s: (s, 0, 0)),
    ]
    kwargs = {}
    if not first:
        in_specs.append(pl.BlockSpec(memory_space=pl.ANY))
        kwargs["input_output_aliases"] = {3: 0}
    body = functools.partial(_proj_body, tb)
    return pl.pallas_call(
        body,
        grid=(sch // tb,),
        in_specs=in_specs,
        out_specs=pl.BlockSpec((tb, VOCAB, BATCH),
                               lambda s: (s0 // tb + s, 0, 0)),
        out_shape=jax.ShapeDtypeStruct((SEQ, VOCAB, BATCH), jnp.float32),
        compiler_params=pltpu.CompilerParams(
            vmem_limit_bytes=56 * 1024 * 1024),
        **kwargs,
    )


_SC_KERNELS = [_make_sc_embed(s0, sch) for s0, sch in CHUNKS]
_TC_KERNELS = [_make_project(s0, sch, i == 0)
               for i, (s0, sch) in enumerate(CHUNKS)]


@jax.jit
def kernel(x, table, W, b):
    w16 = W.astype(jnp.bfloat16)
    b2d = b.reshape(VOCAB, 1)
    xT = jnp.transpose(x)
    gs = [sck(table, xT) for sck in _SC_KERNELS]
    y = _TC_KERNELS[0](w16, b2d, gs[0])
    for i in range(1, len(CHUNKS)):
        y = _TC_KERNELS[i](w16, b2d, gs[i], y)
    return jnp.transpose(y, (2, 0, 1))

# --- scband reference (transcript-rebuilt; emitter-appended) ---
"""Pipeline reference for scband-language-model-54150947668156 (READ-ONLY COPY).

The authoritative reference and input builder live on the scoring server;
editing this copy changes nothing except your own understanding.
"""

import jax, jax.numpy as jnp
import numpy as np

VOCAB = 1000
EMBED_DIM = 128
BATCH = 1024
SEQ = 50


def setup_inputs(seed: int = 0) -> dict:
    key = jax.random.key(seed)
    k_x, k_emb, k_w, k_b = jax.random.split(key, 4)
    x = jax.random.randint(k_x, (BATCH, SEQ), 0, VOCAB, dtype=jnp.int64 if jax.config.jax_enable_x64 else jnp.int32)
    # Embedding table (padding_idx=0 -> row 0 zeroed, as torch.nn.Embedding does)
    table = jax.random.normal(k_emb, (VOCAB, EMBED_DIM), dtype=jnp.float32)
    table = table.at[0].set(0.0)
    # Linear: weight [vocab, embed_dim], bias [vocab] (torch nn.Linear layout)
    bound = 1.0 / np.sqrt(EMBED_DIM)
    W = jax.random.uniform(k_w, (VOCAB, EMBED_DIM), minval=-bound, maxval=bound, dtype=jnp.float32)
    b = jax.random.uniform(k_b, (VOCAB,), minval=-bound, maxval=bound, dtype=jnp.float32)
    return {"x": x, "table": table, "W": W, "b": b}


def reference(x, table, W, b):
    # embedded = self.embedding(x)  -> gather rows of the table
    embedded = jnp.take(table, x, axis=0)  # [B, S, E]
    # out = self.fc(embedded)       -> x @ W.T + b
    out = jnp.einsum("bse,ve->bsv", embedded, W) + b
    return out

if __name__ == "__main__":
    import jax
    _d = setup_inputs()
    print(jax.jit(kernel)(*tuple(_d.values())))

</pallas_src>

<mosaic_0001>
#map = affine_map<(d0, d1) -> (0, 0)>
#map1 = affine_map<(d0, d1) -> (0, 0, 0)>
module attributes {stable_mosaic.version = 14 : i64} {
  func.func @_sc_embed(%arg0: i32, %arg1: i32, %arg2: memref<1000x128xf32, #tpu.memory_space<hbm>>, %arg3: memref<50x1024xi32, #tpu.memory_space<hbm>>, %arg4: memref<24x1024x128xf32, #tpu.memory_space<hbm>>, %arg5: memref<24x128xi32, #tpu.memory_space<vmem>>, %arg6: memref<2x32x128xf32, #tpu.memory_space<vmem>>, %arg7: memref<!tpu.dma_semaphore, #tpu.memory_space<semaphore_mem>>, %arg8: memref<!tpu.dma_semaphore, #tpu.memory_space<semaphore_mem>>, %arg9: memref<!tpu.dma_semaphore, #tpu.memory_space<semaphore_mem>>, %arg10: memref<!tpu.dma_semaphore, #tpu.memory_space<semaphore_mem>>) attributes {dimension_semantics = [#tpu.dimension_semantics<core_parallel>, #tpu.dimension_semantics<subcore_parallel>], iteration_bounds = array<i64: 2, 16>, scalar_prefetch = 0 : i64, scratch_operands = 6 : i64, tpu.core_type = #tpu.core_type<sc_vector_subcore>, window_params = [{transform_indices = #map}, {transform_indices = #map}, {transform_indices = #map1}]} {
    %mul3A = arith.constant 2 : i32
    %mul3A_0 = arith.muli %arg1, %mul3A : i32
    %add3A = arith.addi %mul3A_0, %arg0 : i32
    %mul3A_1 = arith.constant 32 : i32
    %mul3A_2 = arith.muli %add3A, %mul3A_1 : i32
    %jit3A = arith.constant 128 : i32
    %div3A = arith.divsi %mul3A_2, %jit3A : i32
    %sign3A = arith.constant 0 : i32
    %sign3A_3 = arith.cmpi sgt, %mul3A_2, %sign3A : i32
    %sign3A_4 = arith.extui %sign3A_3 : i1 to i32
    %sign3A_5 = arith.constant 0 : i32
    %sign3A_6 = arith.cmpi slt, %mul3A_2, %sign3A_5 : i32
    %sign3A_7 = arith.extui %sign3A_6 : i1 to i32
    %sign3A_8 = arith.subi %sign3A_4, %sign3A_7 : i32
    %sign3A_9 = arith.constant 0 : i32
    %sign3A_10 = arith.cmpi sgt, %jit3A, %sign3A_9 : i32
    %sign3A_11 = arith.extui %sign3A_10 : i1 to i32
    %sign3A_12 = arith.constant 0 : i32
    %sign3A_13 = arith.cmpi slt, %jit3A, %sign3A_12 : i32
    %sign3A_14 = arith.extui %sign3A_13 : i1 to i32
    %sign3A_15 = arith.subi %sign3A_11, %sign3A_14 : i32
    %ne3A = arith.cmpi ne, %sign3A_8, %sign3A_15 : i32
    %rem3A = arith.remsi %mul3A_2, %jit3A : i32
    %ne3A_16 = arith.constant 0 : i32
    %ne3A_17 = arith.cmpi ne, %rem3A, %ne3A_16 : i32
    %and3A = arith.andi %ne3A, %ne3A_17 : i1
    %sub3A = arith.constant 1 : i32
    %sub3A_18 = arith.subi %div3A, %sub3A : i32
    %select_n3A = arith.select %and3A, %sub3A_18, %div3A : i32
    %mul3A_19 = arith.constant 128 : i32
    %mul3A_20 = arith.muli %select_n3A, %mul3A_19 : i32
    %sub3A_21 = arith.subi %mul3A_2, %mul3A_20 : i32
    "tpu.region"() ({
      %run_scoped3A = tpu.sem_alloc : memref<!tpu.dma_semaphore, #tpu.memory_space<semaphore_mem>>
      %dma_start3A_133 = arith.constant 0 : i32
      %dma_start3A_134 = tpu.memref_slice %arg3[%dma_start3A_133, %mul3A_20] : memref<50x1024xi32, #tpu.memory_space<hbm>> -> memref<24x128xi32, #tpu.memory_space<hbm>>
      %dma_start3A_135 = arith.constant 0 : i32
      %dma_start3A_136 = tpu.memref_slice %arg3[%dma_start3A_135, %mul3A_20] : memref<50x1024xi32, #tpu.memory_space<hbm>> -> memref<24x128xi32, #tpu.memory_space<hbm>>
      tpu.enqueue_dma source(%dma_start3A_136 : memref<24x128xi32, #tpu.memory_space<hbm>>) target(%arg5 : memref<24x128xi32, #tpu.memory_space<vmem>>) target_semaphore(%run_scoped3A : memref<!tpu.dma_semaphore, #tpu.memory_space<semaphore_mem>>)
      %dma_wait3A_137 = arith.constant 0 : i32
      %dma_wait3A_138 = tpu.memref_slice %arg3[%dma_wait3A_137, %mul3A_20] : memref<50x1024xi32, #tpu.memory_space<hbm>> -> memref<24x128xi32, #tpu.memory_space<hbm>>
      %dma_wait3A_139 = arith.constant 0 : i32
      %dma_wait3A_140 = tpu.memref_slice %arg3[%dma_wait3A_139, %mul3A_20] : memref<50x1024xi32, #tpu.memory_space<hbm>> -> memref<24x128xi32, #tpu.memory_space<hbm>>
      tpu.wait_dma2 semaphore(%run_scoped3A : memref<!tpu.dma_semaphore, #tpu.memory_space<semaphore_mem>>) src(%dma_wait3A_140 : memref<24x128xi32, #tpu.memory_space<hbm>>) dst(%arg5 : memref<24x128xi32, #tpu.memory_space<vmem>>)
      tpu.yield
    }) : () -> ()
    %dma_start3A = arith.constant 0 : i32
    %dma_start3A_22 = arith.constant 0 : i32
    %dma_start3A_23 = arith.constant 0 : i32
    %dma_start3A_24 = arith.constant 0 : i32
    %dma_start3A_25 = tpu.memref_slice %arg6[%dma_start3A_22, %dma_start3A_23, %dma_start3A_24] : memref<2x32x128xf32, #tpu.memory_space<vmem>> -> memref<1x32x128xf32, #tpu.memory_space<vmem>>
    %dma_start3A_26 = tpu.memref_squeeze %dma_start3A_25 : memref<1x32x128xf32, #tpu.memory_space<vmem>> -> memref<32x128xf32, #tpu.memory_space<vmem>>
    %dma_start3A_27 = tpu.memref_slice %arg5[%dma_start3A, %sub3A_21] : memref<24x128xi32, #tpu.memory_space<vmem>> -> memref<1x32xi32, #tpu.memory_space<vmem>>
    %dma_start3A_28 = tpu.memref_squeeze %dma_start3A_27 : memref<1x32xi32, #tpu.memory_space<vmem>> -> memref<32xi32, #tpu.memory_space<vmem>>
    %dma_start3A_29 = arith.constant 0 : i32
    %dma_start3A_30 = arith.constant 0 : i32
    %dma_start3A_31 = tpu.memref_slice %arg2[%dma_start3A_29, %dma_start3A_30] : memref<1000x128xf32, #tpu.memory_space<hbm>> -> memref<1000x128xf32, #tpu.memory_space<hbm>>
    tpu.enqueue_indirect_dma source(%dma_start3A_31 : memref<1000x128xf32, #tpu.memory_space<hbm>>) target(%dma_start3A_26 : memref<32x128xf32, #tpu.memory_space<vmem>>) offsets(%dma_start3A_28 : memref<32xi32, #tpu.memory_space<vmem>>) semaphore(%arg7 : memref<!tpu.dma_semaphore, #tpu.memory_space<semaphore_mem>>)
    %dma_start3A_32 = arith.constant 1 : i32
    %dma_start3A_33 = arith.constant 1 : i32
    %dma_start3A_34 = arith.constant 0 : i32
    %dma_start3A_35 = arith.constant 0 : i32
    %dma_start3A_36 = tpu.memref_slice %arg6[%dma_start3A_33, %dma_start3A_34, %dma_start3A_35] : memref<2x32x128xf32, #tpu.memory_space<vmem>> -> memref<1x32x128xf32, #tpu.memory_space<vmem>>
    %dma_start3A_37 = tpu.memref_squeeze %dma_start3A_36 : memref<1x32x128xf32, #tpu.memory_space<vmem>> -> memref<32x128xf32, #tpu.memory_space<vmem>>
    %dma_start3A_38 = tpu.memref_slice %arg5[%dma_start3A_32, %sub3A_21] : memref<24x128xi32, #tpu.memory_space<vmem>> -> memref<1x32xi32, #tpu.memory_space<vmem>>
    %dma_start3A_39 = tpu.memref_squeeze %dma_start3A_38 : memref<1x32xi32, #tpu.memory_space<vmem>> -> memref<32xi32, #tpu.memory_space<vmem>>
    %dma_start3A_40 = arith.constant 0 : i32
    %dma_start3A_41 = arith.constant 0 : i32
    %dma_start3A_42 = tpu.memref_slice %arg2[%dma_start3A_40, %dma_start3A_41] : memref<1000x128xf32, #tpu.memory_space<hbm>> -> memref<1000x128xf32, #tpu.memory_space<hbm>>
    tpu.enqueue_indirect_dma source(%dma_start3A_42 : memref<1000x128xf32, #tpu.memory_space<hbm>>) target(%dma_start3A_37 : memref<32x128xf32, #tpu.memory_space<vmem>>) offsets(%dma_start3A_39 : memref<32xi32, #tpu.memory_space<vmem>>) semaphore(%arg8 : memref<!tpu.dma_semaphore, #tpu.memory_space<semaphore_mem>>)
    %dma_wait3A = arith.constant 0 : i32
    %dma_wait3A_43 = arith.constant 0 : i32
    %dma_wait3A_44 = arith.constant 0 : i32
    %dma_wait3A_45 = arith.constant 0 : i32
    %dma_wait3A_46 = tpu.memref_slice %arg6[%dma_wait3A_43, %dma_wait3A_44, %dma_wait3A_45] : memref<2x32x128xf32, #tpu.memory_space<vmem>> -> memref<1x32x128xf32, #tpu.memory_space<vmem>>
    %dma_wait3A_47 = tpu.memref_squeeze %dma_wait3A_46 : memref<1x32x128xf32, #tpu.memory_space<vmem>> -> memref<32x128xf32, #tpu.memory_space<vmem>>
    %dma_wait3A_48 = tpu.memref_slice %arg5[%dma_wait3A, %sub3A_21] : memref<24x128xi32, #tpu.memory_space<vmem>> -> memref<1x32xi32, #tpu.memory_space<vmem>>
    %dma_wait3A_49 = tpu.memref_squeeze %dma_wait3A_48 : memref<1x32xi32, #tpu.memory_space<vmem>> -> memref<32xi32, #tpu.memory_space<vmem>>
    %dma_wait3A_50 = arith.constant 0 : i32
    %dma_wait3A_51 = arith.constant 0 : i32
    %dma_wait3A_52 = tpu.memref_slice %arg2[%dma_wait3A_50, %dma_wait3A_51] : memref<1000x128xf32, #tpu.memory_space<hbm>> -> memref<1000x128xf32, #tpu.memory_space<hbm>>
    tpu.wait_indirect_dma semaphore(%arg7 : memref<!tpu.dma_semaphore, #tpu.memory_space<semaphore_mem>>) src(%dma_wait3A_52 : memref<1000x128xf32, #tpu.memory_space<hbm>>) dst(%dma_wait3A_47 : memref<32x128xf32, #tpu.memory_space<vmem>>)
    %dma_start3A_53 = arith.constant 0 : i32
    %dma_start3A_54 = arith.constant 0 : i32
    %dma_start3A_55 = arith.constant 0 : i32
    %dma_start3A_56 = arith.constant 0 : i32
    %dma_start3A_57 = tpu.memref_slice %arg6[%dma_start3A_53, %dma_start3A_55, %dma_start3A_56] : memref<2x32x128xf32, #tpu.memory_space<vmem>> -> memref<1x32x128xf32, #tpu.memory_space<vmem>>
    %dma_start3A_58 = tpu.memref_squeeze %dma_start3A_57 : memref<1x32x128xf32, #tpu.memory_space<vmem>> -> memref<32x128xf32, #tpu.memory_space<vmem>>
    %dma_start3A_59 = arith.constant 0 : i32
    %dma_start3A_60 = tpu.memref_slice %arg4[%dma_start3A_54, %mul3A_2, %dma_start3A_59] : memref<24x1024x128xf32, #tpu.memory_space<hbm>> -> memref<1x32x128xf32, #tpu.memory_space<hbm>>
    %dma_start3A_61 = tpu.memref_squeeze %dma_start3A_60 : memref<1x32x128xf32, #tpu.memory_space<hbm>> -> memref<32x128xf32, #tpu.memory_space<hbm>>
    %dma_start3A_62 = arith.constant 0 : i32
    %dma_start3A_63 = tpu.memref_slice %arg4[%dma_start3A_54, %mul3A_2, %dma_start3A_62] : memref<24x1024x128xf32, #tpu.memory_space<hbm>> -> memref<1x32x128xf32, #tpu.memory_space<hbm>>
    %dma_start3A_64 = tpu.memref_squeeze %dma_start3A_63 : memref<1x32x128xf32, #tpu.memory_space<hbm>> -> memref<32x128xf32, #tpu.memory_space<hbm>>
    %dma_start3A_65 = arith.constant 0 : i32
    %dma_start3A_66 = arith.constant 0 : i32
    %dma_start3A_67 = tpu.memref_slice %arg6[%dma_start3A_53, %dma_start3A_65, %dma_start3A_66] : memref<2x32x128xf32, #tpu.memory_space<vmem>> -> memref<1x32x128xf32, #tpu.memory_space<vmem>>
    %dma_start3A_68 = tpu.memref_squeeze %dma_start3A_67 : memref<1x32x128xf32, #tpu.memory_space<vmem>> -> memref<32x128xf32, #tpu.memory_space<vmem>>
    tpu.enqueue_dma source(%dma_start3A_68 : memref<32x128xf32, #tpu.memory_space<vmem>>) target(%dma_start3A_64 : memref<32x128xf32, #tpu.memory_space<hbm>>) target_semaphore(%arg9 : memref<!tpu.dma_semaphore, #tpu.memory_space<semaphore_mem>>)
    %scan3A = arith.constant 0 : i32
    %scan3A_69 = arith.constant 1 : i32
    %scan3A_70 = arith.constant 11 : i32
    %scan3A_71 = arith.addi %scan3A_69, %scan3A_70 : i32
    %scan3A_72 = arith.constant 1 : i32
    scf.for %scan3A_133 = %scan3A_69 to %scan3A_71 step %scan3A_72  : i32 {
      %mul3A_134 = arith.constant 2 : i32
      %mul3A_135 = arith.muli %mul3A_134, %scan3A_133 : i32
      %dma_wait3A_136 = arith.constant 0 : i32
      %dma_wait3A_137 = arith.constant 0 : i32
      %dma_wait3A_138 = arith.constant 0 : i32
      %dma_wait3A_139 = arith.constant 0 : i32
      %dma_wait3A_140 = tpu.memref_slice %arg6[%dma_wait3A_136, %dma_wait3A_138, %dma_wait3A_139] : memref<2x32x128xf32, #tpu.memory_space<vmem>> -> memref<1x32x128xf32, #tpu.memory_space<vmem>>
      %dma_wait3A_141 = tpu.memref_squeeze %dma_wait3A_140 : memref<1x32x128xf32, #tpu.memory_space<vmem>> -> memref<32x128xf32, #tpu.memory_space<vmem>>
      %dma_wait3A_142 = arith.constant 0 : i32
      %dma_wait3A_143 = tpu.memref_slice %arg4[%dma_wait3A_137, %mul3A_2, %dma_wait3A_142] : memref<24x1024x128xf32, #tpu.memory_space<hbm>> -> memref<1x32x128xf32, #tpu.memory_space<hbm>>
      %dma_wait3A_144 = tpu.memref_squeeze %dma_wait3A_143 : memref<1x32x128xf32, #tpu.memory_space<hbm>> -> memref<32x128xf32, #tpu.memory_space<hbm>>
      %dma_wait3A_145 = arith.constant 0 : i32
      %dma_wait3A_146 = tpu.memref_slice %arg4[%dma_wait3A_137, %mul3A_2, %dma_wait3A_145] : memref<24x1024x128xf32, #tpu.memory_space<hbm>> -> memref<1x32x128xf32, #tpu.memory_space<hbm>>
      %dma_wait3A_147 = tpu.memref_squeeze %dma_wait3A_146 : memref<1x32x128xf32, #tpu.memory_space<hbm>> -> memref<32x128xf32, #tpu.memory_space<hbm>>
      %dma_wait3A_148 = arith.constant 0 : i32
      %dma_wait3A_149 = arith.constant 0 : i32
      %dma_wait3A_150 = tpu.memref_slice %arg6[%dma_wait3A_136, %dma_wait3A_148, %dma_wait3A_149] : memref<2x32x128xf32, #tpu.memory_space<vmem>> -> memref<1x32x128xf32, #tpu.memory_space<vmem>>
      %dma_wait3A_151 = tpu.memref_squeeze %dma_wait3A_150 : memref<1x32x128xf32, #tpu.memory_space<vmem>> -> memref<32x128xf32, #tpu.memory_space<vmem>>
      tpu.wait_dma2 semaphore(%arg9 : memref<!tpu.dma_semaphore, #tpu.memory_space<semaphore_mem>>) src(%dma_wait3A_151 : memref<32x128xf32, #tpu.memory_space<vmem>>) dst(%dma_wait3A_147 : memref<32x128xf32, #tpu.memory_space<hbm>>)
      %dma_start3A_152 = arith.constant 0 : i32
      %dma_start3A_153 = arith.constant 0 : i32
      %dma_start3A_154 = arith.constant 0 : i32
      %dma_start3A_155 = tpu.memref_slice %arg6[%dma_start3A_152, %dma_start3A_153, %dma_start3A_154] : memref<2x32x128xf32, #tpu.memory_space<vmem>> -> memref<1x32x128xf32, #tpu.memory_space<vmem>>
      %dma_start3A_156 = tpu.memref_squeeze %dma_start3A_155 : memref<1x32x128xf32, #tpu.memory_space<vmem>> -> memref<32x128xf32, #tpu.memory_space<vmem>>
      %dma_start3A_157 = tpu.memref_slice %arg5[%mul3A_135, %sub3A_21] : memref<24x128xi32, #tpu.memory_space<vmem>> -> memref<1x32xi32, #tpu.memory_space<vmem>>
      %dma_start3A_158 = tpu.memref_squeeze %dma_start3A_157 : memref<1x32xi32, #tpu.memory_space<vmem>> -> memref<32xi32, #tpu.memory_space<vmem>>
      %dma_start3A_159 = arith.constant 0 : i32
      %dma_start3A_160 = arith.constant 0 : i32
      %dma_start3A_161 = tpu.memref_slice %arg2[%dma_start3A_159, %dma_start3A_160] : memref<1000x128xf32, #tpu.memory_space<hbm>> -> memref<1000x128xf32, #tpu.memory_space<hbm>>
      tpu.enqueue_indirect_dma source(%dma_start3A_161 : memref<1000x128xf32, #tpu.memory_space<hbm>>) target(%dma_start3A_156 : memref<32x128xf32, #tpu.memory_space<vmem>>) offsets(%dma_start3A_158 : memref<32xi32, #tpu.memory_space<vmem>>) semaphore(%arg7 : memref<!tpu.dma_semaphore, #tpu.memory_space<semaphore_mem>>)
      %dma_wait3A_162 = arith.constant 0 : i32
      %dma_wait3A_163 = arith.constant 1 : i32
      %dma_wait3A_164 = arith.constant 0 : i32
      %dma_wait3A_165 = arith.constant 0 : i32
      %dma_wait3A_166 = tpu.memref_slice %arg6[%dma_wait3A_163, %dma_wait3A_164, %dma_wait3A_165] : memref<2x32x128xf32, #tpu.memory_space<vmem>> -> memref<1x32x128xf32, #tpu.memory_space<vmem>>
      %dma_wait3A_167 = tpu.memref_squeeze %dma_wait3A_166 : memref<1x32x128xf32, #tpu.memory_space<vmem>> -> memref<32x128xf32, #tpu.memory_space<vmem>>
      %dma_wait3A_168 = tpu.memref_slice %arg5[%dma_wait3A_162, %sub3A_21] : memref<24x128xi32, #tpu.memory_space<vmem>> -> memref<1x32xi32, #tpu.memory_space<vmem>>
      %dma_wait3A_169 = tpu.memref_squeeze %dma_wait3A_168 : memref<1x32xi32, #tpu.memory_space<vmem>> -> memref<32xi32, #tpu.memory_space<vmem>>
      %dma_wait3A_170 = arith.constant 0 : i32
      %dma_wait3A_171 = arith.constant 0 : i32
      %dma_wait3A_172 = tpu.memref_slice %arg2[%dma_wait3A_170, %dma_wait3A_171] : memref<1000x128xf32, #tpu.memory_space<hbm>> -> memref<1000x128xf32, #tpu.memory_space<hbm>>
      tpu.wait_indirect_dma semaphore(%arg8 : memref<!tpu.dma_semaphore, #tpu.memory_space<semaphore_mem>>) src(%dma_wait3A_172 : memref<1000x128xf32, #tpu.memory_space<hbm>>) dst(%dma_wait3A_167 : memref<32x128xf32, #tpu.memory_space<vmem>>)
      %sub3A_173 = arith.constant 1 : i32
      %sub3A_174 = arith.subi %mul3A_135, %sub3A_173 : i32
      %dma_start3A_175 = arith.constant 1 : i32
      %dma_start3A_176 = arith.constant 0 : i32
      %dma_start3A_177 = arith.constant 0 : i32
      %dma_start3A_178 = tpu.memref_slice %arg6[%dma_start3A_175, %dma_start3A_176, %dma_start3A_177] : memref<2x32x128xf32, #tpu.memory_space<vmem>> -> memref<1x32x128xf32, #tpu.memory_space<vmem>>
      %dma_start3A_179 = tpu.memref_squeeze %dma_start3A_178 : memref<1x32x128xf32, #tpu.memory_space<vmem>> -> memref<32x128xf32, #tpu.memory_space<vmem>>
      %dma_start3A_180 = arith.constant 0 : i32
      %dma_start3A_181 = tpu.memref_slice %arg4[%sub3A_174, %mul3A_2, %dma_start3A_180] : memref<24x1024x128xf32, #tpu.memory_space<hbm>> -> memref<1x32x128xf32, #tpu.memory_space<hbm>>
      %dma_start3A_182 = tpu.memref_squeeze %dma_start3A_181 : memref<1x32x128xf32, #tpu.memory_space<hbm>> -> memref<32x128xf32, #tpu.memory_space<hbm>>
      %dma_start3A_183 = arith.constant 0 : i32
      %dma_start3A_184 = tpu.memref_slice %arg4[%sub3A_174, %mul3A_2, %dma_start3A_183] : memref<24x1024x128xf32, #tpu.memory_space<hbm>> -> memref<1x32x128xf32, #tpu.memory_space<hbm>>
      %dma_start3A_185 = tpu.memref_squeeze %dma_start3A_184 : memref<1x32x128xf32, #tpu.memory_space<hbm>> -> memref<32x128xf32, #tpu.memory_space<hbm>>
      %dma_start3A_186 = arith.constant 0 : i32
      %dma_start3A_187 = arith.constant 0 : i32
      %dma_start3A_188 = tpu.memref_slice %arg6[%dma_start3A_175, %dma_start3A_186, %dma_start3A_187] : memref<2x32x128xf32, #tpu.memory_space<vmem>> -> memref<1x32x128xf32, #tpu.memory_space<vmem>>
      %dma_start3A_189 = tpu.memref_squeeze %dma_start3A_188 : memref<1x32x128xf32, #tpu.memory_space<vmem>> -> memref<32x128xf32, #tpu.memory_space<vmem>>
      tpu.enqueue_dma source(%dma_start3A_189 : memref<32x128xf32, #tpu.memory_space<vmem>>) target(%dma_start3A_185 : memref<32x128xf32, #tpu.memory_space<hbm>>) target_semaphore(%arg10 : memref<!tpu.dma_semaphore, #tpu.memory_space<semaphore_mem>>)
      %dma_wait3A_190 = arith.constant 1 : i32
      %dma_wait3A_191 = arith.constant 0 : i32
      %dma_wait3A_192 = arith.constant 0 : i32
      %dma_wait3A_193 = arith.constant 0 : i32
      %dma_wait3A_194 = tpu.memref_slice %arg6[%dma_wait3A_190, %dma_wait3A_192, %dma_wait3A_193] : memref<2x32x128xf32, #tpu.memory_space<vmem>> -> memref<1x32x128xf32, #tpu.memory_space<vmem>>
      %dma_wait3A_195 = tpu.memref_squeeze %dma_wait3A_194 : memref<1x32x128xf32, #tpu.memory_space<vmem>> -> memref<32x128xf32, #tpu.memory_space<vmem>>
      %dma_wait3A_196 = arith.constant 0 : i32
      %dma_wait3A_197 = tpu.memref_slice %arg4[%dma_wait3A_191, %mul3A_2, %dma_wait3A_196] : memref<24x1024x128xf32, #tpu.memory_space<hbm>> -> memref<1x32x128xf32, #tpu.memory_space<hbm>>
      %dma_wait3A_198 = tpu.memref_squeeze %dma_wait3A_197 : memref<1x32x128xf32, #tpu.memory_space<hbm>> -> memref<32x128xf32, #tpu.memory_space<hbm>>
      %dma_wait3A_199 = arith.constant 0 : i32
      %dma_wait3A_200 = tpu.memref_slice %arg4[%dma_wait3A_191, %mul3A_2, %dma_wait3A_199] : memref<24x1024x128xf32, #tpu.memory_space<hbm>> -> memref<1x32x128xf32, #tpu.memory_space<hbm>>
      %dma_wait3A_201 = tpu.memref_squeeze %dma_wait3A_200 : memref<1x32x128xf32, #tpu.memory_space<hbm>> -> memref<32x128xf32, #tpu.memory_space<hbm>>
      %dma_wait3A_202 = arith.constant 0 : i32
      %dma_wait3A_203 = arith.constant 0 : i32
      %dma_wait3A_204 = tpu.memref_slice %arg6[%dma_wait3A_190, %dma_wait3A_202, %dma_wait3A_203] : memref<2x32x128xf32, #tpu.memory_space<vmem>> -> memref<1x32x128xf32, #tpu.memory_space<vmem>>
      %dma_wait3A_205 = tpu.memref_squeeze %dma_wait3A_204 : memref<1x32x128xf32, #tpu.memory_space<vmem>> -> memref<32x128xf32, #tpu.memory_space<vmem>>
      tpu.wait_dma2 semaphore(%arg10 : memref<!tpu.dma_semaphore, #tpu.memory_space<semaphore_mem>>) src(%dma_wait3A_205 : memref<32x128xf32, #tpu.memory_space<vmem>>) dst(%dma_wait3A_201 : memref<32x128xf32, #tpu.memory_space<hbm>>)
      %add3A_206 = arith.constant 1 : i32
      %add3A_207 = arith.addi %mul3A_135, %add3A_206 : i32
      %dma_start3A_208 = arith.constant 1 : i32
      %dma_start3A_209 = arith.constant 0 : i32
      %dma_start3A_210 = arith.constant 0 : i32
      %dma_start3A_211 = tpu.memref_slice %arg6[%dma_start3A_208, %dma_start3A_209, %dma_start3A_210] : memref<2x32x128xf32, #tpu.memory_space<vmem>> -> memref<1x32x128xf32, #tpu.memory_space<vmem>>
      %dma_start3A_212 = tpu.memref_squeeze %dma_start3A_211 : memref<1x32x128xf32, #tpu.memory_space<vmem>> -> memref<32x128xf32, #tpu.memory_space<vmem>>
      %dma_start3A_213 = tpu.memref_slice %arg5[%add3A_207, %sub3A_21] : memref<24x128xi32, #tpu.memory_space<vmem>> -> memref<1x32xi32, #tpu.memory_space<vmem>>
      %dma_start3A_214 = tpu.memref_squeeze %dma_start3A_213 : memref<1x32xi32, #tpu.memory_space<vmem>> -> memref<32xi32, #tpu.memory_space<vmem>>
      %dma_start3A_215 = arith.constant 0 : i32
      %dma_start3A_216 = arith.constant 0 : i32
      %dma_start3A_217 = tpu.memref_slice %arg2[%dma_start3A_215, %dma_start3A_216] : memref<1000x128xf32, #tpu.memory_space<hbm>> -> memref<1000x128xf32, #tpu.memory_space<hbm>>
      tpu.enqueue_indirect_dma source(%dma_start3A_217 : memref<1000x128xf32, #tpu.memory_space<hbm>>) target(%dma_start3A_212 : memref<32x128xf32, #tpu.memory_space<vmem>>) offsets(%dma_start3A_214 : memref<32xi32, #tpu.memory_space<vmem>>) semaphore(%arg8 : memref<!tpu.dma_semaphore, #tpu.memory_space<semaphore_mem>>)
      %dma_wait3A_218 = arith.constant 0 : i32
      %dma_wait3A_219 = arith.constant 0 : i32
      %dma_wait3A_220 = arith.constant 0 : i32
      %dma_wait3A_221 = arith.constant 0 : i32
      %dma_wait3A_222 = tpu.memref_slice %arg6[%dma_wait3A_219, %dma_wait3A_220, %dma_wait3A_221] : memref<2x32x128xf32, #tpu.memory_space<vmem>> -> memref<1x32x128xf32, #tpu.memory_space<vmem>>
      %dma_wait3A_223 = tpu.memref_squeeze %dma_wait3A_222 : memref<1x32x128xf32, #tpu.memory_space<vmem>> -> memref<32x128xf32, #tpu.memory_space<vmem>>
      %dma_wait3A_224 = tpu.memref_slice %arg5[%dma_wait3A_218, %sub3A_21] : memref<24x128xi32, #tpu.memory_space<vmem>> -> memref<1x32xi32, #tpu.memory_space<vmem>>
      %dma_wait3A_225 = tpu.memref_squeeze %dma_wait3A_224 : memref<1x32xi32, #tpu.memory_space<vmem>> -> memref<32xi32, #tpu.memory_space<vmem>>
      %dma_wait3A_226 = arith.constant 0 : i32
      %dma_wait3A_227 = arith.constant 0 : i32
      %dma_wait3A_228 = tpu.memref_slice %arg2[%dma_wait3A_226, %dma_wait3A_227] : memref<1000x128xf32, #tpu.memory_space<hbm>> -> memref<1000x128xf32, #tpu.memory_space<hbm>>
      tpu.wait_indirect_dma semaphore(%arg7 : memref<!tpu.dma_semaphore, #tpu.memory_space<semaphore_mem>>) src(%dma_wait3A_228 : memref<1000x128xf32, #tpu.memory_space<hbm>>) dst(%dma_wait3A_223 : memref<32x128xf32, #tpu.memory_space<vmem>>)
      %dma_start3A_229 = arith.constant 0 : i32
      %dma_start3A_230 = arith.constant 0 : i32
      %dma_start3A_231 = arith.constant 0 : i32
      %dma_start3A_232 = tpu.memref_slice %arg6[%dma_start3A_229, %dma_start3A_230, %dma_start3A_231] : memref<2x32x128xf32, #tpu.memory_space<vmem>> -> memref<1x32x128xf32, #tpu.memory_space<vmem>>
      %dma_start3A_233 = tpu.memref_squeeze %dma_start3A_232 : memref<1x32x128xf32, #tpu.memory_space<vmem>> -> memref<32x128xf32, #tpu.memory_space<vmem>>
      %dma_start3A_234 = arith.constant 0 : i32
      %dma_start3A_235 = tpu.memref_slice %arg4[%mul3A_135, %mul3A_2, %dma_start3A_234] : memref<24x1024x128xf32, #tpu.memory_space<hbm>> -> memref<1x32x128xf32, #tpu.memory_space<hbm>>
      %dma_start3A_236 = tpu.memref_squeeze %dma_start3A_235 : memref<1x32x128xf32, #tpu.memory_space<hbm>> -> memref<32x128xf32, #tpu.memory_space<hbm>>
      %dma_start3A_237 = arith.constant 0 : i32
      %dma_start3A_238 = tpu.memref_slice %arg4[%mul3A_135, %mul3A_2, %dma_start3A_237] : memref<24x1024x128xf32, #tpu.memory_space<hbm>> -> memref<1x32x128xf32, #tpu.memory_space<hbm>>
      %dma_start3A_239 = tpu.memref_squeeze %dma_start3A_238 : memref<1x32x128xf32, #tpu.memory_space<hbm>> -> memref<32x128xf32, #tpu.memory_space<hbm>>
      %dma_start3A_240 = arith.constant 0 : i32
      %dma_start3A_241 = arith.constant 0 : i32
      %dma_start3A_242 = tpu.memref_slice %arg6[%dma_start3A_229, %dma_start3A_240, %dma_start3A_241] : memref<2x32x128xf32, #tpu.memory_space<vmem>> -> memref<1x32x128xf32, #tpu.memory_space<vmem>>
      %dma_start3A_243 = tpu.memref_squeeze %dma_start3A_242 : memref<1x32x128xf32, #tpu.memory_space<vmem>> -> memref<32x128xf32, #tpu.memory_space<vmem>>
      tpu.enqueue_dma source(%dma_start3A_243 : memref<32x128xf32, #tpu.memory_space<vmem>>) target(%dma_start3A_239 : memref<32x128xf32, #tpu.memory_space<hbm>>) target_semaphore(%arg9 : memref<!tpu.dma_semaphore, #tpu.memory_space<semaphore_mem>>)
    }
    %scan3A_73 = arith.constant 11 : i32
    %dma_wait3A_74 = arith.constant 0 : i32
    %dma_wait3A_75 = arith.constant 1 : i32
    %dma_wait3A_76 = arith.constant 0 : i32
    %dma_wait3A_77 = arith.constant 0 : i32
    %dma_wait3A_78 = tpu.memref_slice %arg6[%dma_wait3A_75, %dma_wait3A_76, %dma_wait3A_77] : memref<2x32x128xf32, #tpu.memory_space<vmem>> -> memref<1x32x128xf32, #tpu.memory_space<vmem>>
    %dma_wait3A_79 = tpu.memref_squeeze %dma_wait3A_78 : memref<1x32x128xf32, #tpu.memory_space<vmem>> -> memref<32x128xf32, #tpu.memory_space<vmem>>
    %dma_wait3A_80 = tpu.memref_slice %arg5[%dma_wait3A_74, %sub3A_21] : memref<24x128xi32, #tpu.memory_space<vmem>> -> memref<1x32xi32, #tpu.memory_space<vmem>>
    %dma_wait3A_81 = tpu.memref_squeeze %dma_wait3A_80 : memref<1x32xi32, #tpu.memory_space<vmem>> -> memref<32xi32, #tpu.memory_space<vmem>>
    %dma_wait3A_82 = arith.constant 0 : i32
    %dma_wait3A_83 = arith.constant 0 : i32
    %dma_wait3A_84 = tpu.memref_slice %arg2[%dma_wait3A_82, %dma_wait3A_83] : memref<1000x128xf32, #tpu.memory_space<hbm>> -> memref<1000x128xf32, #tpu.memory_space<hbm>>
    tpu.wait_indirect_dma semaphore(%arg8 : memref<!tpu.dma_semaphore, #tpu.memory_space<semaphore_mem>>) src(%dma_wait3A_84 : memref<1000x128xf32, #tpu.memory_space<hbm>>) dst(%dma_wait3A_79 : memref<32x128xf32, #tpu.memory_space<vmem>>)
    %dma_start3A_85 = arith.constant 1 : i32
    %dma_start3A_86 = arith.constant 23 : i32
    %dma_start3A_87 = arith.constant 0 : i32
    %dma_start3A_88 = arith.constant 0 : i32
    %dma_start3A_89 = tpu.memref_slice %arg6[%dma_start3A_85, %dma_start3A_87, %dma_start3A_88] : memref<2x32x128xf32, #tpu.memory_space<vmem>> -> memref<1x32x128xf32, #tpu.memory_space<vmem>>
    %dma_start3A_90 = tpu.memref_squeeze %dma_start3A_89 : memref<1x32x128xf32, #tpu.memory_space<vmem>> -> memref<32x128xf32, #tpu.memory_space<vmem>>
    %dma_start3A_91 = arith.constant 0 : i32
    %dma_start3A_92 = tpu.memref_slice %arg4[%dma_start3A_86, %mul3A_2, %dma_start3A_91] : memref<24x1024x128xf32, #tpu.memory_space<hbm>> -> memref<1x32x128xf32, #tpu.memory_space<hbm>>
    %dma_start3A_93 = tpu.memref_squeeze %dma_start3A_92 : memref<1x32x128xf32, #tpu.memory_space<hbm>> -> memref<32x128xf32, #tpu.memory_space<hbm>>
    %dma_start3A_94 = arith.constant 0 : i32
    %dma_start3A_95 = tpu.memref_slice %arg4[%dma_start3A_86, %mul3A_2, %dma_start3A_94] : memref<24x1024x128xf32, #tpu.memory_space<hbm>> -> memref<1x32x128xf32, #tpu.memory_space<hbm>>
    %dma_start3A_96 = tpu.memref_squeeze %dma_start3A_95 : memref<1x32x128xf32, #tpu.memory_space<hbm>> -> memref<32x128xf32, #tpu.memory_space<hbm>>
    %dma_start3A_97 = arith.constant 0 : i32
    %dma_start3A_98 = arith.constant 0 : i32
    %dma_start3A_99 = tpu.memref_slice %arg6[%dma_start3A_85, %dma_start3A_97, %dma_start3A_98] : memref<2x32x128xf32, #tpu.memory_space<vmem>> -> memref<1x32x128xf32, #tpu.memory_space<vmem>>
    %dma_start3A_100 = tpu.memref_squeeze %dma_start3A_99 : memref<1x32x128xf32, #tpu.memory_space<vmem>> -> memref<32x128xf32, #tpu.memory_space<vmem>>
    tpu.enqueue_dma source(%dma_start3A_100 : memref<32x128xf32, #tpu.memory_space<vmem>>) target(%dma_start3A_96 : memref<32x128xf32, #tpu.memory_space<hbm>>) target_semaphore(%arg10 : memref<!tpu.dma_semaphore, #tpu.memory_space<semaphore_mem>>)
    %dma_wait3A_101 = arith.constant 0 : i32
    %dma_wait3A_102 = arith.constant 0 : i32
    %dma_wait3A_103 = arith.constant 0 : i32
    %dma_wait3A_104 = arith.constant 0 : i32
    %dma_wait3A_105 = tpu.memref_slice %arg6[%dma_wait3A_101, %dma_wait3A_103, %dma_wait3A_104] : memref<2x32x128xf32, #tpu.memory_space<vmem>> -> memref<1x32x128xf32, #tpu.memory_space<vmem>>
    %dma_wait3A_106 = tpu.memref_squeeze %dma_wait3A_105 : memref<1x32x128xf32, #tpu.memory_space<vmem>> -> memref<32x128xf32, #tpu.memory_space<vmem>>
    %dma_wait3A_107 = arith.constant 0 : i32
    %dma_wait3A_108 = tpu.memref_slice %arg4[%dma_wait3A_102, %mul3A_2, %dma_wait3A_107] : memref<24x1024x128xf32, #tpu.memory_space<hbm>> -> memref<1x32x128xf32, #tpu.memory_space<hbm>>
    %dma_wait3A_109 = tpu.memref_squeeze %dma_wait3A_108 : memref<1x32x128xf32, #tpu.memory_space<hbm>> -> memref<32x128xf32, #tpu.memory_space<hbm>>
    %dma_wait3A_110 = arith.constant 0 : i32
    %dma_wait3A_111 = tpu.memref_slice %arg4[%dma_wait3A_102, %mul3A_2, %dma_wait3A_110] : memref<24x1024x128xf32, #tpu.memory_space<hbm>> -> memref<1x32x128xf32, #tpu.memory_space<hbm>>
    %dma_wait3A_112 = tpu.memref_squeeze %dma_wait3A_111 : memref<1x32x128xf32, #tpu.memory_space<hbm>> -> memref<32x128xf32, #tpu.memory_space<hbm>>
    %dma_wait3A_113 = arith.constant 0 : i32
    %dma_wait3A_114 = arith.constant 0 : i32
    %dma_wait3A_115 = tpu.memref_slice %arg6[%dma_wait3A_101, %dma_wait3A_113, %dma_wait3A_114] : memref<2x32x128xf32, #tpu.memory_space<vmem>> -> memref<1x32x128xf32, #tpu.memory_space<vmem>>
    %dma_wait3A_116 = tpu.memref_squeeze %dma_wait3A_115 : memref<1x32x128xf32, #tpu.memory_space<vmem>> -> memref<32x128xf32, #tpu.memory_space<vmem>>
    tpu.wait_dma2 semaphore(%arg9 : memref<!tpu.dma_semaphore, #tpu.memory_space<semaphore_mem>>) src(%dma_wait3A_116 : memref<32x128xf32, #tpu.memory_space<vmem>>) dst(%dma_wait3A_112 : memref<32x128xf32, #tpu.memory_space<hbm>>)
    %dma_wait3A_117 = arith.constant 1 : i32
    %dma_wait3A_118 = arith.constant 0 : i32
    %dma_wait3A_119 = arith.constant 0 : i32
    %dma_wait3A_120 = arith.constant 0 : i32
    %dma_wait3A_121 = tpu.memref_slice %arg6[%dma_wait3A_117, %dma_wait3A_119, %dma_wait3A_120] : memref<2x32x128xf32, #tpu.memory_space<vmem>> -> memref<1x32x128xf32, #tpu.memory_space<vmem>>
    %dma_wait3A_122 = tpu.memref_squeeze %dma_wait3A_121 : memref<1x32x128xf32, #tpu.memory_space<vmem>> -> memref<32x128xf32, #tpu.memory_space<vmem>>
    %dma_wait3A_123 = arith.constant 0 : i32
    %dma_wait3A_124 = tpu.memref_slice %arg4[%dma_wait3A_118, %mul3A_2, %dma_wait3A_123] : memref<24x1024x128xf32, #tpu.memory_space<hbm>> -> memref<1x32x128xf32, #tpu.memory_space<hbm>>
    %dma_wait3A_125 = tpu.memref_squeeze %dma_wait3A_124 : memref<1x32x128xf32, #tpu.memory_space<hbm>> -> memref<32x128xf32, #tpu.memory_space<hbm>>
    %dma_wait3A_126 = arith.constant 0 : i32
    %dma_wait3A_127 = tpu.memref_slice %arg4[%dma_wait3A_118, %mul3A_2, %dma_wait3A_126] : memref<24x1024x128xf32, #tpu.memory_space<hbm>> -> memref<1x32x128xf32, #tpu.memory_space<hbm>>
    %dma_wait3A_128 = tpu.memref_squeeze %dma_wait3A_127 : memref<1x32x128xf32, #tpu.memory_space<hbm>> -> memref<32x128xf32, #tpu.memory_space<hbm>>
    %dma_wait3A_129 = arith.constant 0 : i32
    %dma_wait3A_130 = arith.constant 0 : i32
    %dma_wait3A_131 = tpu.memref_slice %arg6[%dma_wait3A_117, %dma_wait3A_129, %dma_wait3A_130] : memref<2x32x128xf32, #tpu.memory_space<vmem>> -> memref<1x32x128xf32, #tpu.memory_space<vmem>>
    %dma_wait3A_132 = tpu.memref_squeeze %dma_wait3A_131 : memref<1x32x128xf32, #tpu.memory_space<vmem>> -> memref<32x128xf32, #tpu.memory_space<vmem>>
    tpu.wait_dma2 semaphore(%arg10 : memref<!tpu.dma_semaphore, #tpu.memory_space<semaphore_mem>>) src(%dma_wait3A_132 : memref<32x128xf32, #tpu.memory_space<vmem>>) dst(%dma_wait3A_128 : memref<32x128xf32, #tpu.memory_space<hbm>>)
    return
  }
}

#map = affine_map<(d0, d1) -> (0, 0)>
#map1 = affine_map<(d0, d1) -> (0, 0, 0)>
module attributes {stable_mosaic.version = 14 : i64} {
  func.func @_sc_embed(%arg0: i32, %arg1: i32, %arg2: memref<1000x128xf32, #tpu.memory_space<hbm>>, %arg3: memref<50x1024xi32, #tpu.memory_space<hbm>>, %arg4: memref<26x1024x128xf32, #tpu.memory_space<hbm>>, %arg5: memref<26x128xi32, #tpu.memory_space<vmem>>, %arg6: memref<2x32x128xf32, #tpu.memory_space<vmem>>, %arg7: memref<!tpu.dma_semaphore, #tpu.memory_space<semaphore_mem>>, %arg8: memref<!tpu.dma_semaphore, #tpu.memory_space<semaphore_mem>>, %arg9: memref<!tpu.dma_semaphore, #tpu.memory_space<semaphore_mem>>, %arg10: memref<!tpu.dma_semaphore, #tpu.memory_space<semaphore_mem>>) attributes {dimension_semantics = [#tpu.dimension_semantics<core_parallel>, #tpu.dimension_semantics<subcore_parallel>], iteration_bounds = array<i64: 2, 16>, scalar_prefetch = 0 : i64, scratch_operands = 6 : i64, tpu.core_type = #tpu.core_type<sc_vector_subcore>, window_params = [{transform_indices = #map}, {transform_indices = #map}, {transform_indices = #map1}]} {
    %mul3A = arith.constant 2 : i32
    %mul3A_0 = arith.muli %arg1, %mul3A : i32
    %add3A = arith.addi %mul3A_0, %arg0 : i32
    %mul3A_1 = arith.constant 32 : i32
    %mul3A_2 = arith.muli %add3A, %mul3A_1 : i32
    %jit3A = arith.constant 128 : i32
    %div3A = arith.divsi %mul3A_2, %jit3A : i32
    %sign3A = arith.constant 0 : i32
    %sign3A_3 = arith.cmpi sgt, %mul3A_2, %sign3A : i32
    %sign3A_4 = arith.extui %sign3A_3 : i1 to i32
    %sign3A_5 = arith.constant 0 : i32
    %sign3A_6 = arith.cmpi slt, %mul3A_2, %sign3A_5 : i32
    %sign3A_7 = arith.extui %sign3A_6 : i1 to i32
    %sign3A_8 = arith.subi %sign3A_4, %sign3A_7 : i32
    %sign3A_9 = arith.constant 0 : i32
    %sign3A_10 = arith.cmpi sgt, %jit3A, %sign3A_9 : i32
    %sign3A_11 = arith.extui %sign3A_10 : i1 to i32
    %sign3A_12 = arith.constant 0 : i32
    %sign3A_13 = arith.cmpi slt, %jit3A, %sign3A_12 : i32
    %sign3A_14 = arith.extui %sign3A_13 : i1 to i32
    %sign3A_15 = arith.subi %sign3A_11, %sign3A_14 : i32
    %ne3A = arith.cmpi ne, %sign3A_8, %sign3A_15 : i32
    %rem3A = arith.remsi %mul3A_2, %jit3A : i32
    %ne3A_16 = arith.constant 0 : i32
    %ne3A_17 = arith.cmpi ne, %rem3A, %ne3A_16 : i32
    %and3A = arith.andi %ne3A, %ne3A_17 : i1
    %sub3A = arith.constant 1 : i32
    %sub3A_18 = arith.subi %div3A, %sub3A : i32
    %select_n3A = arith.select %and3A, %sub3A_18, %div3A : i32
    %mul3A_19 = arith.constant 128 : i32
    %mul3A_20 = arith.muli %select_n3A, %mul3A_19 : i32
    %sub3A_21 = arith.subi %mul3A_2, %mul3A_20 : i32
    "tpu.region"() ({
      %run_scoped3A = tpu.sem_alloc : memref<!tpu.dma_semaphore, #tpu.memory_space<semaphore_mem>>
      %dma_start3A_133 = arith.constant 24 : i32
      %dma_start3A_134 = tpu.memref_slice %arg3[%dma_start3A_133, %mul3A_20] : memref<50x1024xi32, #tpu.memory_space<hbm>> -> memref<26x128xi32, #tpu.memory_space<hbm>>
      %dma_start3A_135 = arith.constant 24 : i32
      %dma_start3A_136 = tpu.memref_slice %arg3[%dma_start3A_135, %mul3A_20] : memref<50x1024xi32, #tpu.memory_space<hbm>> -> memref<26x128xi32, #tpu.memory_space<hbm>>
      tpu.enqueue_dma source(%dma_start3A_136 : memref<26x128xi32, #tpu.memory_space<hbm>>) target(%arg5 : memref<26x128xi32, #tpu.memory_space<vmem>>) target_semaphore(%run_scoped3A : memref<!tpu.dma_semaphore, #tpu.memory_space<semaphore_mem>>)
      %dma_wait3A_137 = arith.constant 24 : i32
      %dma_wait3A_138 = tpu.memref_slice %arg3[%dma_wait3A_137, %mul3A_20] : memref<50x1024xi32, #tpu.memory_space<hbm>> -> memref<26x128xi32, #tpu.memory_space<hbm>>
      %dma_wait3A_139 = arith.constant 24 : i32
      %dma_wait3A_140 = tpu.memref_slice %arg3[%dma_wait3A_139, %mul3A_20] : memref<50x1024xi32, #tpu.memory_space<hbm>> -> memref<26x128xi32, #tpu.memory_space<hbm>>
      tpu.wait_dma2 semaphore(%run_scoped3A : memref<!tpu.dma_semaphore, #tpu.memory_space<semaphore_mem>>) src(%dma_wait3A_140 : memref<26x128xi32, #tpu.memory_space<hbm>>) dst(%arg5 : memref<26x128xi32, #tpu.memory_space<vmem>>)
      tpu.yield
    }) : () -> ()
    %dma_start3A = arith.constant 0 : i32
    %dma_start3A_22 = arith.constant 0 : i32
    %dma_start3A_23 = arith.constant 0 : i32
    %dma_start3A_24 = arith.constant 0 : i32
    %dma_start3A_25 = tpu.memref_slice %arg6[%dma_start3A_22, %dma_start3A_23, %dma_start3A_24] : memref<2x32x128xf32, #tpu.memory_space<vmem>> -> memref<1x32x128xf32, #tpu.memory_space<vmem>>
    %dma_start3A_26 = tpu.memref_squeeze %dma_start3A_25 : memref<1x32x128xf32, #tpu.memory_space<vmem>> -> memref<32x128xf32, #tpu.memory_space<vmem>>
    %dma_start3A_27 = tpu.memref_slice %arg5[%dma_start3A, %sub3A_21] : memref<26x128xi32, #tpu.memory_space<vmem>> -> memref<1x32xi32, #tpu.memory_space<vmem>>
    %dma_start3A_28 = tpu.memref_squeeze %dma_start3A_27 : memref<1x32xi32, #tpu.memory_space<vmem>> -> memref<32xi32, #tpu.memory_space<vmem>>
    %dma_start3A_29 = arith.constant 0 : i32
    %dma_start3A_30 = arith.constant 0 : i32
    %dma_start3A_31 = tpu.memref_slice %arg2[%dma_start3A_29, %dma_start3A_30] : memref<1000x128xf32, #tpu.memory_space<hbm>> -> memref<1000x128xf32, #tpu.memory_space<hbm>>
    tpu.enqueue_indirect_dma source(%dma_start3A_31 : memref<1000x128xf32, #tpu.memory_space<hbm>>) target(%dma_start3A_26 : memref<32x128xf32, #tpu.memory_space<vmem>>) offsets(%dma_start3A_28 : memref<32xi32, #tpu.memory_space<vmem>>) semaphore(%arg7 : memref<!tpu.dma_semaphore, #tpu.memory_space<semaphore_mem>>)
    %dma_start3A_32 = arith.constant 1 : i32
    %dma_start3A_33 = arith.constant 1 : i32
    %dma_start3A_34 = arith.constant 0 : i32
    %dma_start3A_35 = arith.constant 0 : i32
    %dma_start3A_36 = tpu.memref_slice %arg6[%dma_start3A_33, %dma_start3A_34, %dma_start3A_35] : memref<2x32x128xf32, #tpu.memory_space<vmem>> -> memref<1x32x128xf32, #tpu.memory_space<vmem>>
    %dma_start3A_37 = tpu.memref_squeeze %dma_start3A_36 : memref<1x32x128xf32, #tpu.memory_space<vmem>> -> memref<32x128xf32, #tpu.memory_space<vmem>>
    %dma_start3A_38 = tpu.memref_slice %arg5[%dma_start3A_32, %sub3A_21] : memref<26x128xi32, #tpu.memory_space<vmem>> -> memref<1x32xi32, #tpu.memory_space<vmem>>
    %dma_start3A_39 = tpu.memref_squeeze %dma_start3A_38 : memref<1x32xi32, #tpu.memory_space<vmem>> -> memref<32xi32, #tpu.memory_space<vmem>>
    %dma_start3A_40 = arith.constant 0 : i32
    %dma_start3A_41 = arith.constant 0 : i32
    %dma_start3A_42 = tpu.memref_slice %arg2[%dma_start3A_40, %dma_start3A_41] : memref<1000x128xf32, #tpu.memory_space<hbm>> -> memref<1000x128xf32, #tpu.memory_space<hbm>>
    tpu.enqueue_indirect_dma source(%dma_start3A_42 : memref<1000x128xf32, #tpu.memory_space<hbm>>) target(%dma_start3A_37 : memref<32x128xf32, #tpu.memory_space<vmem>>) offsets(%dma_start3A_39 : memref<32xi32, #tpu.memory_space<vmem>>) semaphore(%arg8 : memref<!tpu.dma_semaphore, #tpu.memory_space<semaphore_mem>>)
    %dma_wait3A = arith.constant 0 : i32
    %dma_wait3A_43 = arith.constant 0 : i32
    %dma_wait3A_44 = arith.constant 0 : i32
    %dma_wait3A_45 = arith.constant 0 : i32
    %dma_wait3A_46 = tpu.memref_slice %arg6[%dma_wait3A_43, %dma_wait3A_44, %dma_wait3A_45] : memref<2x32x128xf32, #tpu.memory_space<vmem>> -> memref<1x32x128xf32, #tpu.memory_space<vmem>>
    %dma_wait3A_47 = tpu.memref_squeeze %dma_wait3A_46 : memref<1x32x128xf32, #tpu.memory_space<vmem>> -> memref<32x128xf32, #tpu.memory_space<vmem>>
    %dma_wait3A_48 = tpu.memref_slice %arg5[%dma_wait3A, %sub3A_21] : memref<26x128xi32, #tpu.memory_space<vmem>> -> memref<1x32xi32, #tpu.memory_space<vmem>>
    %dma_wait3A_49 = tpu.memref_squeeze %dma_wait3A_48 : memref<1x32xi32, #tpu.memory_space<vmem>> -> memref<32xi32, #tpu.memory_space<vmem>>
    %dma_wait3A_50 = arith.constant 0 : i32
    %dma_wait3A_51 = arith.constant 0 : i32
    %dma_wait3A_52 = tpu.memref_slice %arg2[%dma_wait3A_50, %dma_wait3A_51] : memref<1000x128xf32, #tpu.memory_space<hbm>> -> memref<1000x128xf32, #tpu.memory_space<hbm>>
    tpu.wait_indirect_dma semaphore(%arg7 : memref<!tpu.dma_semaphore, #tpu.memory_space<semaphore_mem>>) src(%dma_wait3A_52 : memref<1000x128xf32, #tpu.memory_space<hbm>>) dst(%dma_wait3A_47 : memref<32x128xf32, #tpu.memory_space<vmem>>)
    %dma_start3A_53 = arith.constant 0 : i32
    %dma_start3A_54 = arith.constant 0 : i32
    %dma_start3A_55 = arith.constant 0 : i32
    %dma_start3A_56 = arith.constant 0 : i32
    %dma_start3A_57 = tpu.memref_slice %arg6[%dma_start3A_53, %dma_start3A_55, %dma_start3A_56] : memref<2x32x128xf32, #tpu.memory_space<vmem>> -> memref<1x32x128xf32, #tpu.memory_space<vmem>>
    %dma_start3A_58 = tpu.memref_squeeze %dma_start3A_57 : memref<1x32x128xf32, #tpu.memory_space<vmem>> -> memref<32x128xf32, #tpu.memory_space<vmem>>
    %dma_start3A_59 = arith.constant 0 : i32
    %dma_start3A_60 = tpu.memref_slice %arg4[%dma_start3A_54, %mul3A_2, %dma_start3A_59] : memref<26x1024x128xf32, #tpu.memory_space<hbm>> -> memref<1x32x128xf32, #tpu.memory_space<hbm>>
    %dma_start3A_61 = tpu.memref_squeeze %dma_start3A_60 : memref<1x32x128xf32, #tpu.memory_space<hbm>> -> memref<32x128xf32, #tpu.memory_space<hbm>>
    %dma_start3A_62 = arith.constant 0 : i32
    %dma_start3A_63 = tpu.memref_slice %arg4[%dma_start3A_54, %mul3A_2, %dma_start3A_62] : memref<26x1024x128xf32, #tpu.memory_space<hbm>> -> memref<1x32x128xf32, #tpu.memory_space<hbm>>
    %dma_start3A_64 = tpu.memref_squeeze %dma_start3A_63 : memref<1x32x128xf32, #tpu.memory_space<hbm>> -> memref<32x128xf32, #tpu.memory_space<hbm>>
    %dma_start3A_65 = arith.constant 0 : i32
    %dma_start3A_66 = arith.constant 0 : i32
    %dma_start3A_67 = tpu.memref_slice %arg6[%dma_start3A_53, %dma_start3A_65, %dma_start3A_66] : memref<2x32x128xf32, #tpu.memory_space<vmem>> -> memref<1x32x128xf32, #tpu.memory_space<vmem>>
    %dma_start3A_68 = tpu.memref_squeeze %dma_start3A_67 : memref<1x32x128xf32, #tpu.memory_space<vmem>> -> memref<32x128xf32, #tpu.memory_space<vmem>>
    tpu.enqueue_dma source(%dma_start3A_68 : memref<32x128xf32, #tpu.memory_space<vmem>>) target(%dma_start3A_64 : memref<32x128xf32, #tpu.memory_space<hbm>>) target_semaphore(%arg9 : memref<!tpu.dma_semaphore, #tpu.memory_space<semaphore_mem>>)
    %scan3A = arith.constant 0 : i32
    %scan3A_69 = arith.constant 1 : i32
    %scan3A_70 = arith.constant 12 : i32
    %scan3A_71 = arith.addi %scan3A_69, %scan3A_70 : i32
    %scan3A_72 = arith.constant 1 : i32
    scf.for %scan3A_133 = %scan3A_69 to %scan3A_71 step %scan3A_72  : i32 {
      %mul3A_134 = arith.constant 2 : i32
      %mul3A_135 = arith.muli %mul3A_134, %scan3A_133 : i32
      %dma_wait3A_136 = arith.constant 0 : i32
      %dma_wait3A_137 = arith.constant 0 : i32
      %dma_wait3A_138 = arith.constant 0 : i32
      %dma_wait3A_139 = arith.constant 0 : i32
      %dma_wait3A_140 = tpu.memref_slice %arg6[%dma_wait3A_136, %dma_wait3A_138, %dma_wait3A_139] : memref<2x32x128xf32, #tpu.memory_space<vmem>> -> memref<1x32x128xf32, #tpu.memory_space<vmem>>
      %dma_wait3A_141 = tpu.memref_squeeze %dma_wait3A_140 : memref<1x32x128xf32, #tpu.memory_space<vmem>> -> memref<32x128xf32, #tpu.memory_space<vmem>>
      %dma_wait3A_142 = arith.constant 0 : i32
      %dma_wait3A_143 = tpu.memref_slice %arg4[%dma_wait3A_137, %mul3A_2, %dma_wait3A_142] : memref<26x1024x128xf32, #tpu.memory_space<hbm>> -> memref<1x32x128xf32, #tpu.memory_space<hbm>>
      %dma_wait3A_144 = tpu.memref_squeeze %dma_wait3A_143 : memref<1x32x128xf32, #tpu.memory_space<hbm>> -> memref<32x128xf32, #tpu.memory_space<hbm>>
      %dma_wait3A_145 = arith.constant 0 : i32
      %dma_wait3A_146 = tpu.memref_slice %arg4[%dma_wait3A_137, %mul3A_2, %dma_wait3A_145] : memref<26x1024x128xf32, #tpu.memory_space<hbm>> -> memref<1x32x128xf32, #tpu.memory_space<hbm>>
      %dma_wait3A_147 = tpu.memref_squeeze %dma_wait3A_146 : memref<1x32x128xf32, #tpu.memory_space<hbm>> -> memref<32x128xf32, #tpu.memory_space<hbm>>
      %dma_wait3A_148 = arith.constant 0 : i32
      %dma_wait3A_149 = arith.constant 0 : i32
      %dma_wait3A_150 = tpu.memref_slice %arg6[%dma_wait3A_136, %dma_wait3A_148, %dma_wait3A_149] : memref<2x32x128xf32, #tpu.memory_space<vmem>> -> memref<1x32x128xf32, #tpu.memory_space<vmem>>
      %dma_wait3A_151 = tpu.memref_squeeze %dma_wait3A_150 : memref<1x32x128xf32, #tpu.memory_space<vmem>> -> memref<32x128xf32, #tpu.memory_space<vmem>>
      tpu.wait_dma2 semaphore(%arg9 : memref<!tpu.dma_semaphore, #tpu.memory_space<semaphore_mem>>) src(%dma_wait3A_151 : memref<32x128xf32, #tpu.memory_space<vmem>>) dst(%dma_wait3A_147 : memref<32x128xf32, #tpu.memory_space<hbm>>)
      %dma_start3A_152 = arith.constant 0 : i32
      %dma_start3A_153 = arith.constant 0 : i32
      %dma_start3A_154 = arith.constant 0 : i32
      %dma_start3A_155 = tpu.memref_slice %arg6[%dma_start3A_152, %dma_start3A_153, %dma_start3A_154] : memref<2x32x128xf32, #tpu.memory_space<vmem>> -> memref<1x32x128xf32, #tpu.memory_space<vmem>>
      %dma_start3A_156 = tpu.memref_squeeze %dma_start3A_155 : memref<1x32x128xf32, #tpu.memory_space<vmem>> -> memref<32x128xf32, #tpu.memory_space<vmem>>
      %dma_start3A_157 = tpu.memref_slice %arg5[%mul3A_135, %sub3A_21] : memref<26x128xi32, #tpu.memory_space<vmem>> -> memref<1x32xi32, #tpu.memory_space<vmem>>
      %dma_start3A_158 = tpu.memref_squeeze %dma_start3A_157 : memref<1x32xi32, #tpu.memory_space<vmem>> -> memref<32xi32, #tpu.memory_space<vmem>>
      %dma_start3A_159 = arith.constant 0 : i32
      %dma_start3A_160 = arith.constant 0 : i32
      %dma_start3A_161 = tpu.memref_slice %arg2[%dma_start3A_159, %dma_start3A_160] : memref<1000x128xf32, #tpu.memory_space<hbm>> -> memref<1000x128xf32, #tpu.memory_space<hbm>>
      tpu.enqueue_indirect_dma source(%dma_start3A_161 : memref<1000x128xf32, #tpu.memory_space<hbm>>) target(%dma_start3A_156 : memref<32x128xf32, #tpu.memory_space<vmem>>) offsets(%dma_start3A_158 : memref<32xi32, #tpu.memory_space<vmem>>) semaphore(%arg7 : memref<!tpu.dma_semaphore, #tpu.memory_space<semaphore_mem>>)
      %dma_wait3A_162 = arith.constant 0 : i32
      %dma_wait3A_163 = arith.constant 1 : i32
      %dma_wait3A_164 = arith.constant 0 : i32
      %dma_wait3A_165 = arith.constant 0 : i32
      %dma_wait3A_166 = tpu.memref_slice %arg6[%dma_wait3A_163, %dma_wait3A_164, %dma_wait3A_165] : memref<2x32x128xf32, #tpu.memory_space<vmem>> -> memref<1x32x128xf32, #tpu.memory_space<vmem>>
      %dma_wait3A_167 = tpu.memref_squeeze %dma_wait3A_166 : memref<1x32x128xf32, #tpu.memory_space<vmem>> -> memref<32x128xf32, #tpu.memory_space<vmem>>
      %dma_wait3A_168 = tpu.memref_slice %arg5[%dma_wait3A_162, %sub3A_21] : memref<26x128xi32, #tpu.memory_space<vmem>> -> memref<1x32xi32, #tpu.memory_space<vmem>>
      %dma_wait3A_169 = tpu.memref_squeeze %dma_wait3A_168 : memref<1x32xi32, #tpu.memory_space<vmem>> -> memref<32xi32, #tpu.memory_space<vmem>>
      %dma_wait3A_170 = arith.constant 0 : i32
      %dma_wait3A_171 = arith.constant 0 : i32
      %dma_wait3A_172 = tpu.memref_slice %arg2[%dma_wait3A_170, %dma_wait3A_171] : memref<1000x128xf32, #tpu.memory_space<hbm>> -> memref<1000x128xf32, #tpu.memory_space<hbm>>
      tpu.wait_indirect_dma semaphore(%arg8 : memref<!tpu.dma_semaphore, #tpu.memory_space<semaphore_mem>>) src(%dma_wait3A_172 : memref<1000x128xf32, #tpu.memory_space<hbm>>) dst(%dma_wait3A_167 : memref<32x128xf32, #tpu.memory_space<vmem>>)
      %sub3A_173 = arith.constant 1 : i32
      %sub3A_174 = arith.subi %mul3A_135, %sub3A_173 : i32
      %dma_start3A_175 = arith.constant 1 : i32
      %dma_start3A_176 = arith.constant 0 : i32
      %dma_start3A_177 = arith.constant 0 : i32
      %dma_start3A_178 = tpu.memref_slice %arg6[%dma_start3A_175, %dma_start3A_176, %dma_start3A_177] : memref<2x32x128xf32, #tpu.memory_space<vmem>> -> memref<1x32x128xf32, #tpu.memory_space<vmem>>
      %dma_start3A_179 = tpu.memref_squeeze %dma_start3A_178 : memref<1x32x128xf32, #tpu.memory_space<vmem>> -> memref<32x128xf32, #tpu.memory_space<vmem>>
      %dma_start3A_180 = arith.constant 0 : i32
      %dma_start3A_181 = tpu.memref_slice %arg4[%sub3A_174, %mul3A_2, %dma_start3A_180] : memref<26x1024x128xf32, #tpu.memory_space<hbm>> -> memref<1x32x128xf32, #tpu.memory_space<hbm>>
      %dma_start3A_182 = tpu.memref_squeeze %dma_start3A_181 : memref<1x32x128xf32, #tpu.memory_space<hbm>> -> memref<32x128xf32, #tpu.memory_space<hbm>>
      %dma_start3A_183 = arith.constant 0 : i32
      %dma_start3A_184 = tpu.memref_slice %arg4[%sub3A_174, %mul3A_2, %dma_start3A_183] : memref<26x1024x128xf32, #tpu.memory_space<hbm>> -> memref<1x32x128xf32, #tpu.memory_space<hbm>>
      %dma_start3A_185 = tpu.memref_squeeze %dma_start3A_184 : memref<1x32x128xf32, #tpu.memory_space<hbm>> -> memref<32x128xf32, #tpu.memory_space<hbm>>
      %dma_start3A_186 = arith.constant 0 : i32
      %dma_start3A_187 = arith.constant 0 : i32
      %dma_start3A_188 = tpu.memref_slice %arg6[%dma_start3A_175, %dma_start3A_186, %dma_start3A_187] : memref<2x32x128xf32, #tpu.memory_space<vmem>> -> memref<1x32x128xf32, #tpu.memory_space<vmem>>
      %dma_start3A_189 = tpu.memref_squeeze %dma_start3A_188 : memref<1x32x128xf32, #tpu.memory_space<vmem>> -> memref<32x128xf32, #tpu.memory_space<vmem>>
      tpu.enqueue_dma source(%dma_start3A_189 : memref<32x128xf32, #tpu.memory_space<vmem>>) target(%dma_start3A_185 : memref<32x128xf32, #tpu.memory_space<hbm>>) target_semaphore(%arg10 : memref<!tpu.dma_semaphore, #tpu.memory_space<semaphore_mem>>)
      %dma_wait3A_190 = arith.constant 1 : i32
      %dma_wait3A_191 = arith.constant 0 : i32
      %dma_wait3A_192 = arith.constant 0 : i32
      %dma_wait3A_193 = arith.constant 0 : i32
      %dma_wait3A_194 = tpu.memref_slice %arg6[%dma_wait3A_190, %dma_wait3A_192, %dma_wait3A_193] : memref<2x32x128xf32, #tpu.memory_space<vmem>> -> memref<1x32x128xf32, #tpu.memory_space<vmem>>
      %dma_wait3A_195 = tpu.memref_squeeze %dma_wait3A_194 : memref<1x32x128xf32, #tpu.memory_space<vmem>> -> memref<32x128xf32, #tpu.memory_space<vmem>>
      %dma_wait3A_196 = arith.constant 0 : i32
      %dma_wait3A_197 = tpu.memref_slice %arg4[%dma_wait3A_191, %mul3A_2, %dma_wait3A_196] : memref<26x1024x128xf32, #tpu.memory_space<hbm>> -> memref<1x32x128xf32, #tpu.memory_space<hbm>>
      %dma_wait3A_198 = tpu.memref_squeeze %dma_wait3A_197 : memref<1x32x128xf32, #tpu.memory_space<hbm>> -> memref<32x128xf32, #tpu.memory_space<hbm>>
      %dma_wait3A_199 = arith.constant 0 : i32
      %dma_wait3A_200 = tpu.memref_slice %arg4[%dma_wait3A_191, %mul3A_2, %dma_wait3A_199] : memref<26x1024x128xf32, #tpu.memory_space<hbm>> -> memref<1x32x128xf32, #tpu.memory_space<hbm>>
      %dma_wait3A_201 = tpu.memref_squeeze %dma_wait3A_200 : memref<1x32x128xf32, #tpu.memory_space<hbm>> -> memref<32x128xf32, #tpu.memory_space<hbm>>
      %dma_wait3A_202 = arith.constant 0 : i32
      %dma_wait3A_203 = arith.constant 0 : i32
      %dma_wait3A_204 = tpu.memref_slice %arg6[%dma_wait3A_190, %dma_wait3A_202, %dma_wait3A_203] : memref<2x32x128xf32, #tpu.memory_space<vmem>> -> memref<1x32x128xf32, #tpu.memory_space<vmem>>
      %dma_wait3A_205 = tpu.memref_squeeze %dma_wait3A_204 : memref<1x32x128xf32, #tpu.memory_space<vmem>> -> memref<32x128xf32, #tpu.memory_space<vmem>>
      tpu.wait_dma2 semaphore(%arg10 : memref<!tpu.dma_semaphore, #tpu.memory_space<semaphore_mem>>) src(%dma_wait3A_205 : memref<32x128xf32, #tpu.memory_space<vmem>>) dst(%dma_wait3A_201 : memref<32x128xf32, #tpu.memory_space<hbm>>)
      %add3A_206 = arith.constant 1 : i32
      %add3A_207 = arith.addi %mul3A_135, %add3A_206 : i32
      %dma_start3A_208 = arith.constant 1 : i32
      %dma_start3A_209 = arith.constant 0 : i32
      %dma_start3A_210 = arith.constant 0 : i32
      %dma_start3A_211 = tpu.memref_slice %arg6[%dma_start3A_208, %dma_start3A_209, %dma_start3A_210] : memref<2x32x128xf32, #tpu.memory_space<vmem>> -> memref<1x32x128xf32, #tpu.memory_space<vmem>>
      %dma_start3A_212 = tpu.memref_squeeze %dma_start3A_211 : memref<1x32x128xf32, #tpu.memory_space<vmem>> -> memref<32x128xf32, #tpu.memory_space<vmem>>
      %dma_start3A_213 = tpu.memref_slice %arg5[%add3A_207, %sub3A_21] : memref<26x128xi32, #tpu.memory_space<vmem>> -> memref<1x32xi32, #tpu.memory_space<vmem>>
      %dma_start3A_214 = tpu.memref_squeeze %dma_start3A_213 : memref<1x32xi32, #tpu.memory_space<vmem>> -> memref<32xi32, #tpu.memory_space<vmem>>
      %dma_start3A_215 = arith.constant 0 : i32
      %dma_start3A_216 = arith.constant 0 : i32
      %dma_start3A_217 = tpu.memref_slice %arg2[%dma_start3A_215, %dma_start3A_216] : memref<1000x128xf32, #tpu.memory_space<hbm>> -> memref<1000x128xf32, #tpu.memory_space<hbm>>
      tpu.enqueue_indirect_dma source(%dma_start3A_217 : memref<1000x128xf32, #tpu.memory_space<hbm>>) target(%dma_start3A_212 : memref<32x128xf32, #tpu.memory_space<vmem>>) offsets(%dma_start3A_214 : memref<32xi32, #tpu.memory_space<vmem>>) semaphore(%arg8 : memref<!tpu.dma_semaphore, #tpu.memory_space<semaphore_mem>>)
      %dma_wait3A_218 = arith.constant 0 : i32
      %dma_wait3A_219 = arith.constant 0 : i32
      %dma_wait3A_220 = arith.constant 0 : i32
      %dma_wait3A_221 = arith.constant 0 : i32
      %dma_wait3A_222 = tpu.memref_slice %arg6[%dma_wait3A_219, %dma_wait3A_220, %dma_wait3A_221] : memref<2x32x128xf32, #tpu.memory_space<vmem>> -> memref<1x32x128xf32, #tpu.memory_space<vmem>>
      %dma_wait3A_223 = tpu.memref_squeeze %dma_wait3A_222 : memref<1x32x128xf32, #tpu.memory_space<vmem>> -> memref<32x128xf32, #tpu.memory_space<vmem>>
      %dma_wait3A_224 = tpu.memref_slice %arg5[%dma_wait3A_218, %sub3A_21] : memref<26x128xi32, #tpu.memory_space<vmem>> -> memref<1x32xi32, #tpu.memory_space<vmem>>
      %dma_wait3A_225 = tpu.memref_squeeze %dma_wait3A_224 : memref<1x32xi32, #tpu.memory_space<vmem>> -> memref<32xi32, #tpu.memory_space<vmem>>
      %dma_wait3A_226 = arith.constant 0 : i32
      %dma_wait3A_227 = arith.constant 0 : i32
      %dma_wait3A_228 = tpu.memref_slice %arg2[%dma_wait3A_226, %dma_wait3A_227] : memref<1000x128xf32, #tpu.memory_space<hbm>> -> memref<1000x128xf32, #tpu.memory_space<hbm>>
      tpu.wait_indirect_dma semaphore(%arg7 : memref<!tpu.dma_semaphore, #tpu.memory_space<semaphore_mem>>) src(%dma_wait3A_228 : memref<1000x128xf32, #tpu.memory_space<hbm>>) dst(%dma_wait3A_223 : memref<32x128xf32, #tpu.memory_space<vmem>>)
      %dma_start3A_229 = arith.constant 0 : i32
      %dma_start3A_230 = arith.constant 0 : i32
      %dma_start3A_231 = arith.constant 0 : i32
      %dma_start3A_232 = tpu.memref_slice %arg6[%dma_start3A_229, %dma_start3A_230, %dma_start3A_231] : memref<2x32x128xf32, #tpu.memory_space<vmem>> -> memref<1x32x128xf32, #tpu.memory_space<vmem>>
      %dma_start3A_233 = tpu.memref_squeeze %dma_start3A_232 : memref<1x32x128xf32, #tpu.memory_space<vmem>> -> memref<32x128xf32, #tpu.memory_space<vmem>>
      %dma_start3A_234 = arith.constant 0 : i32
      %dma_start3A_235 = tpu.memref_slice %arg4[%mul3A_135, %mul3A_2, %dma_start3A_234] : memref<26x1024x128xf32, #tpu.memory_space<hbm>> -> memref<1x32x128xf32, #tpu.memory_space<hbm>>
      %dma_start3A_236 = tpu.memref_squeeze %dma_start3A_235 : memref<1x32x128xf32, #tpu.memory_space<hbm>> -> memref<32x128xf32, #tpu.memory_space<hbm>>
      %dma_start3A_237 = arith.constant 0 : i32
      %dma_start3A_238 = tpu.memref_slice %arg4[%mul3A_135, %mul3A_2, %dma_start3A_237] : memref<26x1024x128xf32, #tpu.memory_space<hbm>> -> memref<1x32x128xf32, #tpu.memory_space<hbm>>
      %dma_start3A_239 = tpu.memref_squeeze %dma_start3A_238 : memref<1x32x128xf32, #tpu.memory_space<hbm>> -> memref<32x128xf32, #tpu.memory_space<hbm>>
      %dma_start3A_240 = arith.constant 0 : i32
      %dma_start3A_241 = arith.constant 0 : i32
      %dma_start3A_242 = tpu.memref_slice %arg6[%dma_start3A_229, %dma_start3A_240, %dma_start3A_241] : memref<2x32x128xf32, #tpu.memory_space<vmem>> -> memref<1x32x128xf32, #tpu.memory_space<vmem>>
      %dma_start3A_243 = tpu.memref_squeeze %dma_start3A_242 : memref<1x32x128xf32, #tpu.memory_space<vmem>> -> memref<32x128xf32, #tpu.memory_space<vmem>>
      tpu.enqueue_dma source(%dma_start3A_243 : memref<32x128xf32, #tpu.memory_space<vmem>>) target(%dma_start3A_239 : memref<32x128xf32, #tpu.memory_space<hbm>>) target_semaphore(%arg9 : memref<!tpu.dma_semaphore, #tpu.memory_space<semaphore_mem>>)
    }
    %scan3A_73 = arith.constant 12 : i32
    %dma_wait3A_74 = arith.constant 0 : i32
    %dma_wait3A_75 = arith.constant 1 : i32
    %dma_wait3A_76 = arith.constant 0 : i32
    %dma_wait3A_77 = arith.constant 0 : i32
    %dma_wait3A_78 = tpu.memref_slice %arg6[%dma_wait3A_75, %dma_wait3A_76, %dma_wait3A_77] : memref<2x32x128xf32, #tpu.memory_space<vmem>> -> memref<1x32x128xf32, #tpu.memory_space<vmem>>
    %dma_wait3A_79 = tpu.memref_squeeze %dma_wait3A_78 : memref<1x32x128xf32, #tpu.memory_space<vmem>> -> memref<32x128xf32, #tpu.memory_space<vmem>>
    %dma_wait3A_80 = tpu.memref_slice %arg5[%dma_wait3A_74, %sub3A_21] : memref<26x128xi32, #tpu.memory_space<vmem>> -> memref<1x32xi32, #tpu.memory_space<vmem>>
    %dma_wait3A_81 = tpu.memref_squeeze %dma_wait3A_80 : memref<1x32xi32, #tpu.memory_space<vmem>> -> memref<32xi32, #tpu.memory_space<vmem>>
    %dma_wait3A_82 = arith.constant 0 : i32
    %dma_wait3A_83 = arith.constant 0 : i32
    %dma_wait3A_84 = tpu.memref_slice %arg2[%dma_wait3A_82, %dma_wait3A_83] : memref<1000x128xf32, #tpu.memory_space<hbm>> -> memref<1000x128xf32, #tpu.memory_space<hbm>>
    tpu.wait_indirect_dma semaphore(%arg8 : memref<!tpu.dma_semaphore, #tpu.memory_space<semaphore_mem>>) src(%dma_wait3A_84 : memref<1000x128xf32, #tpu.memory_space<hbm>>) dst(%dma_wait3A_79 : memref<32x128xf32, #tpu.memory_space<vmem>>)
    %dma_start3A_85 = arith.constant 1 : i32
    %dma_start3A_86 = arith.constant 25 : i32
    %dma_start3A_87 = arith.constant 0 : i32
    %dma_start3A_88 = arith.constant 0 : i32
    %dma_start3A_89 = tpu.memref_slice %arg6[%dma_start3A_85, %dma_start3A_87, %dma_start3A_88] : memref<2x32x128xf32, #tpu.memory_space<vmem>> -> memref<1x32x128xf32, #tpu.memory_space<vmem>>
    %dma_start3A_90 = tpu.memref_squeeze %dma_start3A_89 : memref<1x32x128xf32, #tpu.memory_space<vmem>> -> memref<32x128xf32, #tpu.memory_space<vmem>>
    %dma_start3A_91 = arith.constant 0 : i32
    %dma_start3A_92 = tpu.memref_slice %arg4[%dma_start3A_86, %mul3A_2, %dma_start3A_91] : memref<26x1024x128xf32, #tpu.memory_space<hbm>> -> memref<1x32x128xf32, #tpu.memory_space<hbm>>
    %dma_start3A_93 = tpu.memref_squeeze %dma_start3A_92 : memref<1x32x128xf32, #tpu.memory_space<hbm>> -> memref<32x128xf32, #tpu.memory_space<hbm>>
    %dma_start3A_94 = arith.constant 0 : i32
    %dma_start3A_95 = tpu.memref_slice %arg4[%dma_start3A_86, %mul3A_2, %dma_start3A_94] : memref<26x1024x128xf32, #tpu.memory_space<hbm>> -> memref<1x32x128xf32, #tpu.memory_space<hbm>>
    %dma_start3A_96 = tpu.memref_squeeze %dma_start3A_95 : memref<1x32x128xf32, #tpu.memory_space<hbm>> -> memref<32x128xf32, #tpu.memory_space<hbm>>
    %dma_start3A_97 = arith.constant 0 : i32
    %dma_start3A_98 = arith.constant 0 : i32
    %dma_start3A_99 = tpu.memref_slice %arg6[%dma_start3A_85, %dma_start3A_97, %dma_start3A_98] : memref<2x32x128xf32, #tpu.memory_space<vmem>> -> memref<1x32x128xf32, #tpu.memory_space<vmem>>
    %dma_start3A_100 = tpu.memref_squeeze %dma_start3A_99 : memref<1x32x128xf32, #tpu.memory_space<vmem>> -> memref<32x128xf32, #tpu.memory_space<vmem>>
    tpu.enqueue_dma source(%dma_start3A_100 : memref<32x128xf32, #tpu.memory_space<vmem>>) target(%dma_start3A_96 : memref<32x128xf32, #tpu.memory_space<hbm>>) target_semaphore(%arg10 : memref<!tpu.dma_semaphore, #tpu.memory_space<semaphore_mem>>)
    %dma_wait3A_101 = arith.constant 0 : i32
    %dma_wait3A_102 = arith.constant 0 : i32
    %dma_wait3A_103 = arith.constant 0 : i32
    %dma_wait3A_104 = arith.constant 0 : i32
    %dma_wait3A_105 = tpu.memref_slice %arg6[%dma_wait3A_101, %dma_wait3A_103, %dma_wait3A_104] : memref<2x32x128xf32, #tpu.memory_space<vmem>> -> memref<1x32x128xf32, #tpu.memory_space<vmem>>
    %dma_wait3A_106 = tpu.memref_squeeze %dma_wait3A_105 : memref<1x32x128xf32, #tpu.memory_space<vmem>> -> memref<32x128xf32, #tpu.memory_space<vmem>>
    %dma_wait3A_107 = arith.constant 0 : i32
    %dma_wait3A_108 = tpu.memref_slice %arg4[%dma_wait3A_102, %mul3A_2, %dma_wait3A_107] : memref<26x1024x128xf32, #tpu.memory_space<hbm>> -> memref<1x32x128xf32, #tpu.memory_space<hbm>>
    %dma_wait3A_109 = tpu.memref_squeeze %dma_wait3A_108 : memref<1x32x128xf32, #tpu.memory_space<hbm>> -> memref<32x128xf32, #tpu.memory_space<hbm>>
    %dma_wait3A_110 = arith.constant 0 : i32
    %dma_wait3A_111 = tpu.memref_slice %arg4[%dma_wait3A_102, %mul3A_2, %dma_wait3A_110] : memref<26x1024x128xf32, #tpu.memory_space<hbm>> -> memref<1x32x128xf32, #tpu.memory_space<hbm>>
    %dma_wait3A_112 = tpu.memref_squeeze %dma_wait3A_111 : memref<1x32x128xf32, #tpu.memory_space<hbm>> -> memref<32x128xf32, #tpu.memory_space<hbm>>
    %dma_wait3A_113 = arith.constant 0 : i32
    %dma_wait3A_114 = arith.constant 0 : i32
    %dma_wait3A_115 = tpu.memref_slice %arg6[%dma_wait3A_101, %dma_wait3A_113, %dma_wait3A_114] : memref<2x32x128xf32, #tpu.memory_space<vmem>> -> memref<1x32x128xf32, #tpu.memory_space<vmem>>
    %dma_wait3A_116 = tpu.memref_squeeze %dma_wait3A_115 : memref<1x32x128xf32, #tpu.memory_space<vmem>> -> memref<32x128xf32, #tpu.memory_space<vmem>>
    tpu.wait_dma2 semaphore(%arg9 : memref<!tpu.dma_semaphore, #tpu.memory_space<semaphore_mem>>) src(%dma_wait3A_116 : memref<32x128xf32, #tpu.memory_space<vmem>>) dst(%dma_wait3A_112 : memref<32x128xf32, #tpu.memory_space<hbm>>)
    %dma_wait3A_117 = arith.constant 1 : i32
    %dma_wait3A_118 = arith.constant 0 : i32
    %dma_wait3A_119 = arith.constant 0 : i32
    %dma_wait3A_120 = arith.constant 0 : i32
    %dma_wait3A_121 = tpu.memref_slice %arg6[%dma_wait3A_117, %dma_wait3A_119, %dma_wait3A_120] : memref<2x32x128xf32, #tpu.memory_space<vmem>> -> memref<1x32x128xf32, #tpu.memory_space<vmem>>
    %dma_wait3A_122 = tpu.memref_squeeze %dma_wait3A_121 : memref<1x32x128xf32, #tpu.memory_space<vmem>> -> memref<32x128xf32, #tpu.memory_space<vmem>>
    %dma_wait3A_123 = arith.constant 0 : i32
    %dma_wait3A_124 = tpu.memref_slice %arg4[%dma_wait3A_118, %mul3A_2, %dma_wait3A_123] : memref<26x1024x128xf32, #tpu.memory_space<hbm>> -> memref<1x32x128xf32, #tpu.memory_space<hbm>>
    %dma_wait3A_125 = tpu.memref_squeeze %dma_wait3A_124 : memref<1x32x128xf32, #tpu.memory_space<hbm>> -> memref<32x128xf32, #tpu.memory_space<hbm>>
    %dma_wait3A_126 = arith.constant 0 : i32
    %dma_wait3A_127 = tpu.memref_slice %arg4[%dma_wait3A_118, %mul3A_2, %dma_wait3A_126] : memref<26x1024x128xf32, #tpu.memory_space<hbm>> -> memref<1x32x128xf32, #tpu.memory_space<hbm>>
    %dma_wait3A_128 = tpu.memref_squeeze %dma_wait3A_127 : memref<1x32x128xf32, #tpu.memory_space<hbm>> -> memref<32x128xf32, #tpu.memory_space<hbm>>
    %dma_wait3A_129 = arith.constant 0 : i32
    %dma_wait3A_130 = arith.constant 0 : i32
    %dma_wait3A_131 = tpu.memref_slice %arg6[%dma_wait3A_117, %dma_wait3A_129, %dma_wait3A_130] : memref<2x32x128xf32, #tpu.memory_space<vmem>> -> memref<1x32x128xf32, #tpu.memory_space<vmem>>
    %dma_wait3A_132 = tpu.memref_squeeze %dma_wait3A_131 : memref<1x32x128xf32, #tpu.memory_space<vmem>> -> memref<32x128xf32, #tpu.memory_space<vmem>>
    tpu.wait_dma2 semaphore(%arg10 : memref<!tpu.dma_semaphore, #tpu.memory_space<semaphore_mem>>) src(%dma_wait3A_132 : memref<32x128xf32, #tpu.memory_space<vmem>>) dst(%dma_wait3A_128 : memref<32x128xf32, #tpu.memory_space<hbm>>)
    return
  }
}

module attributes {stable_mosaic.version = 14 : i64} {
  func.func @_proj_body(%arg0: i32, %arg1: memref<1000x128xbf16, #tpu.memory_space<vmem>>, %arg2: memref<1000x1xf32, #tpu.memory_space<vmem>>, %arg3: memref<2x1024x128xf32, #tpu.memory_space<vmem>>, %arg4: memref<50x1000x1024xf32, #tpu.memory_space<any>>, %arg5: memref<2x1000x1024xf32, #tpu.memory_space<vmem>>) attributes {dimension_semantics = [#tpu.dimension_semantics<arbitrary>], iteration_bounds = array<i64: 13>, scalar_prefetch = 0 : i64, scratch_operands = 0 : i64, tpu.core_type = #tpu.core_type<tc>, window_params = [{pipeline_mode = #tpu.pipeline_mode<synchronous>, transform_indices = @transform_0, window_bounds = array<i64: 1000, 128>}, {pipeline_mode = #tpu.pipeline_mode<synchronous>, transform_indices = @transform_1, window_bounds = array<i64: 1000, 1>}, {transform_indices = @transform_2, window_bounds = array<i64: 2, 1024, 128>}, {}, {transform_indices = @transform_4, window_bounds = array<i64: 2, 1000, 1024>}]} {
    %get3A = arith.constant 0 : index
    %get3A_0 = arith.constant 0 : index
    %get3A_1 = arith.constant 0 : index
    %get3A_2 = vector.load %arg3[%get3A, %get3A_0, %get3A_1] : memref<2x1024x128xf32, #tpu.memory_space<vmem>>, vector<2x1024x128xf32>
    %reshape3A = vector.shape_cast %get3A_2 : vector<2x1024x128xf32> to vector<2048x128xf32>
    %convert_element_type3A = arith.truncf %reshape3A : vector<2048x128xf32> to vector<2048x128xbf16>
    %get3A_3 = arith.constant 0 : index
    %get3A_4 = arith.constant 0 : index
    %get3A_5 = vector.load %arg1[%get3A_3, %get3A_4] : memref<1000x128xbf16, #tpu.memory_space<vmem>>, vector<1000x128xbf16>
    %dot_general3A = arith.constant dense<0.000000e+00> : vector<1000x2048xf32>
    %dot_general3A_6 = tpu.matmul %get3A_5, %convert_element_type3A, %dot_general3A {dimension_numbers = #tpu.dot_dimension_numbers<[1], [1], [0], [0], [0, 0, 1, 0], [], []>, transpose_lhs_hint = false} : vector<1000x128xbf16>, vector<2048x128xbf16>, vector<1000x2048xf32> -> vector<1000x2048xf32>
    %get3A_7 = arith.constant 0 : index
    %get3A_8 = arith.constant 0 : index
    %get3A_9 = vector.load %arg2[%get3A_7, %get3A_8] : memref<1000x1xf32, #tpu.memory_space<vmem>>, vector<1000x1xf32>
    %add3A = vector.broadcast %get3A_9 : vector<1000x1xf32> to vector<1000x2048xf32>
    %add3A_10 = arith.addf %dot_general3A_6, %add3A : vector<1000x2048xf32>
    %slice3A = vector.extract_strided_slice %add3A_10 {offsets = [0, 0], sizes = [1000, 1024], strides = [1, 1]} : vector<1000x2048xf32> to vector<1000x1024xf32>
    %swap3A = arith.constant 0 : index
    %swap3A_11 = arith.constant 0 : index
    %swap3A_12 = arith.constant 0 : index
    %swap3A_13 = vector.load %arg5[%swap3A, %swap3A_11, %swap3A_12] : memref<2x1000x1024xf32, #tpu.memory_space<vmem>>, vector<1x1000x1024xf32>
    %swap3A_14 = vector.shape_cast %swap3A_13 : vector<1x1000x1024xf32> to vector<1000x1024xf32>
    %swap3A_15 = vector.shape_cast %slice3A : vector<1000x1024xf32> to vector<1x1000x1024xf32>
    tpu.vector_store %arg5[%swap3A, %swap3A_11, %swap3A_12], %swap3A_15 {strides = array<i32>} : memref<2x1000x1024xf32, #tpu.memory_space<vmem>>, vector<1x1000x1024xf32>,
    %slice3A_16 = vector.extract_strided_slice %add3A_10 {offsets = [0, 1024], sizes = [1000, 1024], strides = [1, 1]} : vector<1000x2048xf32> to vector<1000x1024xf32>
    %swap3A_17 = arith.constant 1 : index
    %swap3A_18 = arith.constant 0 : index
    %swap3A_19 = arith.constant 0 : index
    %swap3A_20 = vector.load %arg5[%swap3A_17, %swap3A_18, %swap3A_19] : memref<2x1000x1024xf32, #tpu.memory_space<vmem>>, vector<1x1000x1024xf32>
    %swap3A_21 = vector.shape_cast %swap3A_20 : vector<1x1000x1024xf32> to vector<1000x1024xf32>
    %swap3A_22 = vector.shape_cast %slice3A_16 : vector<1000x1024xf32> to vector<1x1000x1024xf32>
    tpu.vector_store %arg5[%swap3A_17, %swap3A_18, %swap3A_19], %swap3A_22 {strides = array<i32>} : memref<2x1000x1024xf32, #tpu.memory_space<vmem>>, vector<1x1000x1024xf32>,
    return
  }
  func.func @transform_0(%arg0: i32) -> (i32, i32) {
    %c0_i32 = arith.constant 0 : i32
    %c0_i32_0 = arith.constant 0 : i32
    %c0_i32_1 = arith.constant 0 : i32
    return %c0_i32, %c0_i32_0 : i32, i32
  }
  func.func @transform_1(%arg0: i32) -> (i32, i32) {
    %c0_i32 = arith.constant 0 : i32
    %c0_i32_0 = arith.constant 0 : i32
    %c0_i32_1 = arith.constant 0 : i32
    return %c0_i32, %c0_i32_0 : i32, i32
  }
  func.func @transform_2(%arg0: i32) -> (i32, i32, i32) {
    %c0_i32 = arith.constant 0 : i32
    %c0_i32_0 = arith.constant 0 : i32
    %c0_i32_1 = arith.constant 0 : i32
    return %arg0, %c0_i32, %c0_i32_0 : i32, i32, i32
  }
  func.func @transform_4(%arg0: i32) -> (i32, i32, i32) {
    %add3A = arith.constant 12 : i32
    %add3A_0 = arith.addi %add3A, %arg0 : i32
    %c0_i32 = arith.constant 0 : i32
    %c0_i32_1 = arith.constant 0 : i32
    %c0_i32_2 = arith.constant 0 : i32
    return %add3A_0, %c0_i32, %c0_i32_1 : i32, i32, i32
  }
}

module attributes {stable_mosaic.version = 14 : i64} {
  func.func @_proj_body(%arg0: i32, %arg1: memref<1000x128xbf16, #tpu.memory_space<vmem>>, %arg2: memref<1000x1xf32, #tpu.memory_space<vmem>>, %arg3: memref<4x1024x128xf32, #tpu.memory_space<vmem>>, %arg4: memref<4x1000x1024xf32, #tpu.memory_space<vmem>>) attributes {dimension_semantics = [#tpu.dimension_semantics<arbitrary>], iteration_bounds = array<i64: 6>, scalar_prefetch = 0 : i64, scratch_operands = 0 : i64, tpu.core_type = #tpu.core_type<tc>, window_params = [{pipeline_mode = #tpu.pipeline_mode<synchronous>, transform_indices = @transform_0, window_bounds = array<i64: 1000, 128>}, {pipeline_mode = #tpu.pipeline_mode<synchronous>, transform_indices = @transform_1, window_bounds = array<i64: 1000, 1>}, {transform_indices = @transform_2, window_bounds = array<i64: 4, 1024, 128>}, {transform_indices = @transform_3, window_bounds = array<i64: 4, 1000, 1024>}]} {
    %get3A = arith.constant 0 : index
    %get3A_0 = arith.constant 0 : index
    %get3A_1 = arith.constant 0 : index
    %get3A_2 = vector.load %arg3[%get3A, %get3A_0, %get3A_1] : memref<4x1024x128xf32, #tpu.memory_space<vmem>>, vector<4x1024x128xf32>
    %reshape3A = vector.shape_cast %get3A_2 : vector<4x1024x128xf32> to vector<4096x128xf32>
    %convert_element_type3A = arith.truncf %reshape3A : vector<4096x128xf32> to vector<4096x128xbf16>
    %get3A_3 = arith.constant 0 : index
    %get3A_4 = arith.constant 0 : index
    %get3A_5 = vector.load %arg1[%get3A_3, %get3A_4] : memref<1000x128xbf16, #tpu.memory_space<vmem>>, vector<1000x128xbf16>
    %dot_general3A = arith.constant dense<0.000000e+00> : vector<1000x4096xf32>
    %dot_general3A_6 = tpu.matmul %get3A_5, %convert_element_type3A, %dot_general3A {dimension_numbers = #tpu.dot_dimension_numbers<[1], [1], [0], [0], [0, 0, 1, 0], [], []>, transpose_lhs_hint = false} : vector<1000x128xbf16>, vector<4096x128xbf16>, vector<1000x4096xf32> -> vector<1000x4096xf32>
    %get3A_7 = arith.constant 0 : index
    %get3A_8 = arith.constant 0 : index
    %get3A_9 = vector.load %arg2[%get3A_7, %get3A_8] : memref<1000x1xf32, #tpu.memory_space<vmem>>, vector<1000x1xf32>
    %add3A = vector.broadcast %get3A_9 : vector<1000x1xf32> to vector<1000x4096xf32>
    %add3A_10 = arith.addf %dot_general3A_6, %add3A : vector<1000x4096xf32>
    %slice3A = vector.extract_strided_slice %add3A_10 {offsets = [0, 0], sizes = [1000, 1024], strides = [1, 1]} : vector<1000x4096xf32> to vector<1000x1024xf32>
    %swap3A = arith.constant 0 : index
    %swap3A_11 = arith.constant 0 : index
    %swap3A_12 = arith.constant 0 : index
    %swap3A_13 = vector.load %arg4[%swap3A, %swap3A_11, %swap3A_12] : memref<4x1000x1024xf32, #tpu.memory_space<vmem>>, vector<1x1000x1024xf32>
    %swap3A_14 = vector.shape_cast %swap3A_13 : vector<1x1000x1024xf32> to vector<1000x1024xf32>
    %swap3A_15 = vector.shape_cast %slice3A : vector<1000x1024xf32> to vector<1x1000x1024xf32>
    tpu.vector_store %arg4[%swap3A, %swap3A_11, %swap3A_12], %swap3A_15 {strides = array<i32>} : memref<4x1000x1024xf32, #tpu.memory_space<vmem>>, vector<1x1000x1024xf32>,
    %slice3A_16 = vector.extract_strided_slice %add3A_10 {offsets = [0, 1024], sizes = [1000, 1024], strides = [1, 1]} : vector<1000x4096xf32> to vector<1000x1024xf32>
    %swap3A_17 = arith.constant 1 : index
    %swap3A_18 = arith.constant 0 : index
    %swap3A_19 = arith.constant 0 : index
    %swap3A_20 = vector.load %arg4[%swap3A_17, %swap3A_18, %swap3A_19] : memref<4x1000x1024xf32, #tpu.memory_space<vmem>>, vector<1x1000x1024xf32>
    %swap3A_21 = vector.shape_cast %swap3A_20 : vector<1x1000x1024xf32> to vector<1000x1024xf32>
    %swap3A_22 = vector.shape_cast %slice3A_16 : vector<1000x1024xf32> to vector<1x1000x1024xf32>
    tpu.vector_store %arg4[%swap3A_17, %swap3A_18, %swap3A_19], %swap3A_22 {strides = array<i32>} : memref<4x1000x1024xf32, #tpu.memory_space<vmem>>, vector<1x1000x1024xf32>,
    %slice3A_23 = vector.extract_strided_slice %add3A_10 {offsets = [0, 2048], sizes = [1000, 1024], strides = [1, 1]} : vector<1000x4096xf32> to vector<1000x1024xf32>
    %swap3A_24 = arith.constant 2 : index
    %swap3A_25 = arith.constant 0 : index
    %swap3A_26 = arith.constant 0 : index
    %swap3A_27 = vector.load %arg4[%swap3A_24, %swap3A_25, %swap3A_26] : memref<4x1000x1024xf32, #tpu.memory_space<vmem>>, vector<1x1000x1024xf32>
    %swap3A_28 = vector.shape_cast %swap3A_27 : vector<1x1000x1024xf32> to vector<1000x1024xf32>
    %swap3A_29 = vector.shape_cast %slice3A_23 : vector<1000x1024xf32> to vector<1x1000x1024xf32>
    tpu.vector_store %arg4[%swap3A_24, %swap3A_25, %swap3A_26], %swap3A_29 {strides = array<i32>} : memref<4x1000x1024xf32, #tpu.memory_space<vmem>>, vector<1x1000x1024xf32>,
    %slice3A_30 = vector.extract_strided_slice %add3A_10 {offsets = [0, 3072], sizes = [1000, 1024], strides = [1, 1]} : vector<1000x4096xf32> to vector<1000x1024xf32>
    %swap3A_31 = arith.constant 3 : index
    %swap3A_32 = arith.constant 0 : index
    %swap3A_33 = arith.constant 0 : index
    %swap3A_34 = vector.load %arg4[%swap3A_31, %swap3A_32, %swap3A_33] : memref<4x1000x1024xf32, #tpu.memory_space<vmem>>, vector<1x1000x1024xf32>
    %swap3A_35 = vector.shape_cast %swap3A_34 : vector<1x1000x1024xf32> to vector<1000x1024xf32>
    %swap3A_36 = vector.shape_cast %slice3A_30 : vector<1000x1024xf32> to vector<1x1000x1024xf32>
    tpu.vector_store %arg4[%swap3A_31, %swap3A_32, %swap3A_33], %swap3A_36 {strides = array<i32>} : memref<4x1000x1024xf32, #tpu.memory_space<vmem>>, vector<1x1000x1024xf32>,
    return
  }
  func.func @transform_0(%arg0: i32) -> (i32, i32) {
    %c0_i32 = arith.constant 0 : i32
    %c0_i32_0 = arith.constant 0 : i32
    %c0_i32_1 = arith.constant 0 : i32
    return %c0_i32, %c0_i32_0 : i32, i32
  }
  func.func @transform_1(%arg0: i32) -> (i32, i32) {
    %c0_i32 = arith.constant 0 : i32
    %c0_i32_0 = arith.constant 0 : i32
    %c0_i32_1 = arith.constant 0 : i32
    return %c0_i32, %c0_i32_0 : i32, i32
  }
  func.func @transform_2(%arg0: i32) -> (i32, i32, i32) {
    %c0_i32 = arith.constant 0 : i32
    %c0_i32_0 = arith.constant 0 : i32
    %c0_i32_1 = arith.constant 0 : i32
    return %arg0, %c0_i32, %c0_i32_0 : i32, i32, i32
  }
  func.func @transform_3(%arg0: i32) -> (i32, i32, i32) {
    %add3A = arith.constant 0 : i32
    %add3A_0 = arith.addi %add3A, %arg0 : i32
    %c0_i32 = arith.constant 0 : i32
    %c0_i32_1 = arith.constant 0 : i32
    %c0_i32_2 = arith.constant 0 : i32
    return %add3A_0, %c0_i32, %c0_i32_1 : i32, i32, i32
  }
}

</mosaic_0001>

<sc_bundles>
// kernel: kernel.6.cloned.1.call-start
scs
__scs_entry_jumppad:
0x0: {  	(pc) =	sbr.rel $0x88, $3  }
0x1: {  	(tag) =	ssettag $0x0;
	lr =	simm.s32 $0x1  }
0x2: {  	[smem:$0x3F9D] =	sst lr;
	_ =	strace $0xD0000000  }
0x3: {  	_ = 	snop  }
0x4: {  	_ = 	snop  }
0x5: {  	_ = 	snop  }
0x6: {  	_ = 	snop  }
0x7: {  	_ = 	snop  }
__scs_overlays_trampoline_lowered:
0x8: {  	[smem:$0x3FAC] =	sst s0  }
0x9: {  	[smem:$0x3FAD] =	sst s1  }
0xa: {  	[smem:$0x3FAE] =	sst s2  }
0xb: {  	[smem:$0x3FAF] =	sst s3  }
0xc: {  	[smem:$0x3FB0] =	sst s4  }
0xd: {  	[smem:$0x3FB1] =	sst s5  }
0xe: {  	[smem:$0x3FB2] =	sst s6  }
0xf: {  	[smem:$0x3FB3] =	sst s7  }
0x10: {  	[smem:$0x3FB4] =	sst s8  }
0x11: {  	[smem:$0x3FB5] =	sst s9;
	s0 =	simm.s32 @!p0 $0x0  }
0x12: {  	s1 =	sld [smem:$0x3F9B];
	s0 =	simm.s32 @p0 $0x1  }
0x13: {  	[smem:$0x3FB6] =	sst s0;
	s0 =	simm.s32 @!p1 $0x0  }
0x14: {  	s2 =	sld [smem:$0x3F9A];
	s0 =	simm.s32 @p1 $0x1  }
0x15: {  	[smem:$0x3FB7] =	sst s0;
	s0 =	simm.s32 @!p2 $0x0  }
0x16: {  	s3 =	sld [smem:$0x3FDB];
	s0 =	simm.s32 @p2 $0x1  }
0x17: {  	s4 =	simm.s32 $0x1BF5;
	[smem:$0x3FB9] =	sst s0  }
0x18: {  	s0 =	sld [smem:$0x3F9C];
	_ =	swait.ge [sflag:s4], $0x0  }
0x19: {  	s7 =	sld [smem:$0x3F9D]  }
0x1a: {  	s8 =	sadd.s32 $0xFFFFE003, lr  }
0x1b: {  	s9 =	sadd.s32 $0xFFFFFEF7, lr;
	s5 =	simm.s32 $0xFFFFFFFF;
	p2 =	slt.u32 s8, $0xFFFFF086  }
0x1c: {  	p1 =	slt.u32 s9, $0xF7A;
	s5 =	simm.s32 @!p2 $0x0  }
0x1d: {  	s5 =	simm.s32 @p1 $0x1;
	p0 =	seq.s32 s7, s2  }
0x1e: {  	s7 =	smul.u32 @!p0 $0xF7A, s2;
	p2 =	seq.s32 @!p0 s5, $0x0  }
0x1f: {  	s9 =	smul.u32 $0xF7A, s1;
	s8 =	simm.s32 @!p0 $0x1BF5;
	p2 =	por !p2, p0  }
0x20: {  	[sflag:s8] =	ssyncset.s32 @!p0 $0xFFFFF086;
	s6 =	sadd.s32 @!p0 s3, s7;
	s7 =	simm.s32 @!p0 $0x108  }
0x21: {  	s3 =	sadd.s32 s3, s9;
	s6 =	sadd.s32 @!p0 $0x88, s6;
	s7 =	simm.s32 @p2 $0x1082  }
0x22: {  	[simem:s7], [sflag:s8] =	dma.local @!p0 [hbm:s6], $0xF7A  }
0x23: {  	s9 =	sor.u32 $0xD0000000, s2;
	s6 =	simm.s32 $0x108;
	_ =	swait.ge @!p0 [sflag:s8], $0x0  }
0x24: {  	s3 =	sadd.s32 $0x88, s3;
	s6 =	simm.s32 @!p1 $0x1082;
	[sflag:s4] =	ssyncset.s32 $0xFFFFF086  }
0x25: {  	[simem:s6], [sflag:s4] =	dma.local [hbm:s3], $0xF7A  }
0x26: {  	[smem:$0x3F9D] =	sst s1;
	(tag) =	ssettag s2;
	_ =	strace s9  }
0x27: {  	s1 =	sld [smem:$0x3FAD]  }
0x28: {  	s2 =	sld [smem:$0x3FAE]  }
0x29: {  	s4 =	sld [smem:$0x3FB0]  }
0x2a: {  	p0 =	seq.s32 s5, $0x0;
	s5 =	sld [smem:$0x3FB1]  }
0x2b: {  	s6 =	sld [smem:$0x3FB2]  }
0x2c: {  	s7 =	sld [smem:$0x3FB3]  }
0x2d: {  	s3 =	simm.s32 $0x108;
	s8 =	sld [smem:$0x3FB4]  }
0x2e: {  	s3 =	simm.s32 @!p0 $0x1082;
	s9 =	sld [smem:$0x3FB5]  }
0x2f: {  	lr =	sadd.s32 s0, s3;
	s0 =	sld [smem:$0x3FAC]  }
0x30: {  	s3 =	sld [smem:$0x3FAF]  }
0x31: {  	[smem:$0x3FB8] =	sst s10  }
0x32: {  	s10 =	sld [smem:$0x3FB6];
	_ =	sdelay $0x3  }
0x33: {  	p0 =	seq.s32 s10, $0x1;
	s10 =	sld [smem:$0x3FB8];
	_ =	sdelay $0x3  }
0x34: {  	[smem:$0x3FB8] =	sst s10  }
0x35: {  	s10 =	sld [smem:$0x3FB7];
	_ =	sdelay $0x3  }
0x36: {  	p1 =	seq.s32 s10, $0x1;
	s10 =	sld [smem:$0x3FB8];
	_ =	sdelay $0x3  }
0x37: {  	[smem:$0x3FB8] =	sst s10  }
0x38: {  	s10 =	sld [smem:$0x3FB9]  }
0x39: {  	_ = 	snop;
	(pc) =	sbr.ind lr, $3  }
0x3a: {  	_ = 	snop  }
0x3b: {  	_ = 	snop  }
0x3c: {  	p2 =	seq.s32 s10, $0x1;
	s10 =	sld [smem:$0x3FB8]  }
0x3d: {  	_ =	shalt  }
0x3e: {  	_ =	shalt  }
0x3f: {  	_ =	shalt  }
0x40: {  	_ =	shalt  }
0x41: {  	_ =	shalt  }
0x42: {  	_ =	shalt  }
0x43: {  	_ =	shalt  }
0x44: {  	_ =	shalt  }
0x45: {  	_ =	shalt  }
0x46: {  	_ =	shalt  }
0x47: {  	_ =	shalt  }
0x48: {  	_ =	shalt  }
0x49: {  	_ =	shalt  }
0x4a: {  	_ =	shalt  }
0x4b: {  	_ =	shalt  }
0x4c: {  	_ =	shalt  }
0x4d: {  	_ =	shalt  }
0x4e: {  	_ =	shalt  }
0x4f: {  	_ =	shalt  }
0x50: {  	_ =	shalt  }
0x51: {  	_ =	shalt  }
0x52: {  	_ =	shalt  }
0x53: {  	_ =	shalt  }
0x54: {  	_ =	shalt  }
0x55: {  	_ =	shalt  }
0x56: {  	_ =	shalt  }
0x57: {  	_ =	shalt  }
0x58: {  	_ =	shalt  }
0x59: {  	_ =	shalt  }
0x5a: {  	_ =	shalt  }
0x5b: {  	_ =	shalt  }
0x5c: {  	_ =	shalt  }
0x5d: {  	_ =	shalt  }
0x5e: {  	_ =	shalt  }
0x5f: {  	_ =	shalt  }
0x60: {  	_ =	shalt  }
0x61: {  	_ =	shalt  }
0x62: {  	_ =	shalt  }
0x63: {  	_ =	shalt  }
0x64: {  	_ =	shalt  }
0x65: {  	_ =	shalt  }
0x66: {  	_ =	shalt  }
0x67: {  	_ =	shalt  }
0x68: {  	_ =	shalt  }
0x69: {  	_ =	shalt  }
0x6a: {  	_ =	shalt  }
0x6b: {  	_ =	shalt  }
0x6c: {  	_ =	shalt  }
0x6d: {  	_ =	shalt  }
0x6e: {  	_ =	shalt  }
0x6f: {  	_ =	shalt  }
0x70: {  	_ =	shalt  }
0x71: {  	_ =	shalt  }
0x72: {  	_ =	shalt  }
0x73: {  	_ =	shalt  }
0x74: {  	_ =	shalt  }
0x75: {  	_ =	shalt  }
0x76: {  	_ =	shalt  }
0x77: {  	_ =	shalt  }
0x78: {  	_ =	shalt  }
0x79: {  	_ =	shalt  }
0x7a: {  	_ =	shalt  }
0x7b: {  	_ =	shalt  }
0x7c: {  	_ =	shalt  }
0x7d: {  	_ =	shalt  }
0x7e: {  	_ =	shalt  }
0x7f: {  	_ =	shalt  }
0x80: {  	_ =	shalt  }
0x81: {  	_ =	shalt  }
0x82: {  	_ =	shalt  }
0x83: {  	_ =	shalt  }
0x84: {  	_ =	shalt  }
0x85: {  	_ =	shalt  }
0x86: {  	_ =	shalt  }
0x87: {  	_ =	shalt  }
.Lfunc_end0:
.L_simem_size_0:
called_computation_lowered:
.L_overlay_start_0:
0x88: {  	s2 =	sld [smem:$0x3FD9]  }
0x89: {  	s3 =	sld [smem:$0x3FFE];
	_ =	sdelay $0x1  }
0x8a: {  	s1 =	srdreg.scid  }
0x8b: {  	s0 =	sand.u32 $0x1, s1  }
0x8c: {  	s17 =	sshll.u32 s0, $0xA;
	s2 =	sadd.s32 s3, s2  }
0x8d: {  	s2 =	sadd.s32 s2, s17  }
0x8e: {  	[smem:$0x3FC4] =	sst s2  }
0x8f: {  	_ = 	snop  }
0x90: {  	s2 =	sld [smem:$0x3FC9]  }
0x91: {  	s18 =	sld [smem:$0x3FC8];
	(tm) =	ssettm $0x1  }
0x92: {  	s4 =	sld [smem:$0x3FFB];
	_ =	sdelay $0x3  }
0x93: {  	_ =	strace s4  }
0x94: {  	s4 =	sld [smem:$0x3FFC];
	_ =	sdelay $0x3  }
0x95: {  	_ =	strace s4  }
0x96: {  	s4 =	sld [smem:$0x3FFD];
	_ =	sdelay $0x3  }
0x97: {  	_ =	strace s4  }
0x98: {  	_ =	strace $0x8FFFFFFF  }
0x99: {  	s19 =	sld [smem:$0x3FDB];
	_ =	sdelay $0x1  }
0x9a: {  	s5 =	simm.s32 $_scs_section_size  }
0x9b: {  	s6 =	simm.s32 $_size__tile_overlayer_lowered;
	s7 =	simm.s32 $_tile_overlayer_lowered  }
0x9c: {  	s22 =	simm.s32 $0x1BFF;
	s21 =	sshll.u32 s7, $0x1;
	s4 =	sadd.s32 s5, s19  }
0x9d: {  	s8 =	simm.s32 $0x0;
	s20 =	sshll.u32 s6, $0x1;
	s6 =	sadd.s32 s21, s4  }
0x9e: {  	[timem:s8], [sflag:s22] =	dma.local [hbm:s6], s20  }
0x9f: {  	_ =	swait.ge [sflag:s22], s20  }
0xa0: {  	s5 =	ssub.s32 $0x0, s20;
	[sflag:s22] =	ssyncset.done $0x0  }
0xa1: {  	[sflag:s22] =	ssyncadd.s32 s5;
	_ =	sdelay $0x1  }
0xa2: {  	s23 =	simm.s32 $0x1B8B  }
0xa3: {  	_ =	swait.ge [sflag:s23], $0x1  }
0xa4: {  	[sflag:s23] =	ssyncset.done $0x0  }
0xa5: {  	s25 =	simm.s32 $0x1B8E;
	s24 =	sld [smem:$0x3FFE];
	[sflag:s23] =	ssyncadd.s32 $0xFFFFFFFF  }
0xa6: {  	s26 =	simm.s32 $execute0_lowered;
	[smem:$0x3FD2] =	sst s25  }
0xa7: {  	s6 =	sshll.u32 s26, $0x1;
	_ =	strace $0x80000046;
	[dreg:$0x1] =	wrdreg $0xFFFFFFFF  }
0xa8: {  	s28 =	simm.s32 $_size_execute0_lowered;
	s4 =	sadd.s32 s4, s6;
	[dreg:$0x0] =	wrdreg $0x0  }
0xa9: {  	s6 =	sshll.u32 s28, $0x1;
	[dreg:$0x2] =	wrdreg s4  }
0xaa: {  	[dreg:$0x3] =	wrdreg s6  }
0xab: {  	[dreg:$0x4] =	wrdreg $0xC0  }
0xac: {  	_ =	task [dreg:s8], $0x5FFFF  }
0xad: {  	[dreg:$0x1] =	wrdreg $0xFFFFFFFF  }
0xae: {  	[dreg:$0x0] =	wrdreg $0x60  }
0xaf: {  	[dreg:$0x2] =	wrdreg s18  }
0xb0: {  	[dreg:$0x3] =	wrdreg s2  }
0xb1: {  	[dreg:$0x4] =	wrdreg s24  }
0xb2: {  	[dreg:$0x5] =	wrdreg $0x9  }
0xb3: {  	_ =	task.clear_ibuf [dreg:s8], $0x6FFFF;
	_ =	strace $0x90000046  }
0xb4: {  	s29 =	simm.s32 $0x9;
	_ =	strace $0x80000048  }
0xb5: {  	_ =	swait.ge [sflag:s29], $0x1  }
0xb6: {  	[sflag:s29] =	ssyncadd.s32 $0xFFFFFFFF  }
0xb7: {  	_ =	strace $0x90000048  }
0xb8: {  	_ =	sfence  }
0xb9: {  	s30 =	sld [smem:$0x0];
	_ =	sdelay $0x2  }
0xba: {  	s31 =	sshll.u32 s1, $0xD;
	s1 =	sshrl.u32 s1, $0x2  }
0xbb: {  	s3 =	sand.u32 $0x4000, s31;
	s1 =	sadd.s32 s1, s30  }
0xbc: {  	s0 =	sor.u32 s3, s0;
	s1 =	sshll.u32 s1, $0x11  }
0xbd: {  	s0 =	sor.u32 s1, s0  }
0xbe: {  	s0 =	sadd.s32 $0x8F2B, s0  }
0xbf: {  	[sflag:s0] =	ssyncadd.remote.s32 $0x1  }
0xc0: {  	_ =	sfence.sel $0xFFFF  }
0xc1: {  	[dreg:$0x0] =	wrdreg $0xFFFFFFFF;
	(pc) =	sbr.abs _section_cstart, $3  }
0xc2: {  	[dreg:$0x1] =	wrdreg $0xFFFFFFFF  }
0xc3: {  	_ =	task.clear_ibuf [dreg:s8], $0x2FFFF;
	_ =	strace $0x9FFFFFFF  }
0xc4: {  	(tm) =	ssettm $0x7FFFFFFF  }
0xc5: {  	_ =	shalt  }
tec
execute0_lowered:
.L_overlay_start_1:
0x0: {  	(tag) =	ssettag $0x1  }
0x1: {  	s1 =	rddreg [dreg:$0x0]  }
0x2: {  	s5 =	rddreg [dreg:$0x1]  }
0x3: {  	s4 =	rddreg [dreg:$0x2]  }
0x4: {  	s0 =	rddreg [dreg:$0x3];
	s2 =	simm.s32 $0x0  }
0x5: {  	s3 =	srdreg.scid;
	s14 =	simm.s32 $0x400;
	s15 =	simm.s32 $0x2000  }
0x6: {  	s16 =	simm.s32 $0x5;
	s17 =	simm.s32 $0x20;
	s18 =	simm.s32 $0xC00  }
0x7: {  	s19 =	simm.s32 $0x1C00;
	s20 =	simm.s32 $0x1;
	s21 =	simm.s32 $0x3  }
0x8: {  	s22 =	simm.s32 $0x2;
	s23 =	simm.s32 $0x4;
	s24 =	simm.s32 $0x0  }
0x9: {  	[smem:$0x7FF] =	sst s2;
	s6 =	sand.u32 $0x1, s3;
	s3 =	stileid.u32  }
0xa: {  	s4 =	sadd.s32 $0x800, s4;
	_ =	strace $0x80000047;
	s7 =	ssub.s32 $0x2, s6  }
0xb: {  	s9 =	sshll.u32 s3, $0x6;
	s10 =	sshll.u32 s6, $0x5;
	s29 =	sshll.u32 s3, $0xD  }
0xc: {  	s6 =	sshll.u32 s6, $0xC;
	s8 =	sshrl.u32 s7, $0x1;
	s26 =	sor.u32 s10, s9  }
0xd: {  	s28 =	sand.u32 $0x380, s9;
	s12 =	sor.u32 s6, s29;
	s11 =	ssub.s32 s7, s8  }
0xe: {  	s5 =	sadd.s32 s5, s28;
	s30 =	sshll.u32 s26, $0x4;
	s6 =	sand.u32 $0x60, s26  }
0xf: {  	s31 =	sor.u32 $0x20000, s12;
	s12 =	sor.u32 $0x40000, s12;
	s7 =	sadd.s32 s4, s30  }
0x10: {  	s8 =	sor.u32 $0x80, s6;
	s13 =	sshrl.u32 s31, $0x3;
	s10 =	smax.u32 s11, $0x1  }
0x11: {  	s9 =	sadd.s32 $0x5C000, s7;
	s11 =	sadd.s32 s13, s4;
	s13 =	sor.u32 $0x180, s6  }
.LBB2_1:
0x12: {  	[tilespmem:s2], [sflag:$0x5] =	stream.strided.gather [hbm4b:s5+s14], $0xC00, s15, s14, $0x38;
	[tilespmem:$0x2C00] =	vst v63  }
0x13: {  	_ =	swait.ge [sflag:s16], $0xC00  }
0x14: {  	[sflag:s16] =	ssyncset.done $0x0  }
0x15: {  	[sflag:s16] =	ssyncadd.s32 $0xFFFFF400  }
0x16: {  	[tilespmem:s18], [sflag:$0x1] =	stream.indirect.gather [hbm4b:s1+s17], $0x80, s6, s17, $0xb8;
	[tilespmem:$0x2C00] =	vst v63  }
0x17: {  	_ = 	snop  }
0x18: {  	[tilespmem:s19], [sflag:$0x2] =	stream.indirect.gather [hbm4b:s1+s17], $0x80, s8, s17, $0xb8;
	[tilespmem:$0x2C00] =	vst v63  }
0x19: {  	_ =	swait.ge [sflag:s20], $0x1000  }
0x1a: {  	[sflag:s20] =	ssyncset.done $0x0  }
0x1b: {  	[sflag:s20] =	ssyncadd.s32 $0xFFFFF000  }
0x1c: {  	[hbm4b:s7+s2] =	stream.linear.scatter [tilespmem:s18], [sflag:$0x3], $0x1000, $0x38;
	[tilespmem:$0x2C00] =	vst v63  }
0x1d: {  	_ =	swait.ge [sflag:s21], $0x1000  }
0x1e: {  	[sflag:s21] =	ssyncset.done $0x0  }
0x1f: {  	s25 =	sadd.s32 $0xFFFFFF80, s13;
	[sflag:s21] =	ssyncadd.s32 $0xFFFFF000  }
0x20: {  	[tilespmem:s18], [sflag:$0x1] =	stream.indirect.gather [hbm4b:s1+s17], $0x80, s25, s17, $0xb8;
	[tilespmem:$0x2C00] =	vst v63  }
0x21: {  	_ =	swait.ge [sflag:s22], $0x1000  }
0x22: {  	[sflag:s22] =	ssyncset.done $0x0  }
0x23: {  	s31 =	sadd.s32 $0x0, s11;
	[sflag:s22] =	ssyncadd.s32 $0xFFFFF000  }
0x24: {  	[hbm4b:s31+s2] =	stream.linear.scatter [tilespmem:s19], [sflag:$0x4], $0x1000, $0x38;
	[tilespmem:$0x2C00] =	vst v63  }
0x25: {  	_ =	swait.ge [sflag:s23], $0x1000  }
0x26: {  	[sflag:s23] =	ssyncset.done $0x0  }
0x27: {  	[sflag:s23] =	ssyncadd.s32 $0xFFFFF000  }
0x28: {  	[tilespmem:s19], [sflag:$0x2] =	stream.indirect.gather [hbm4b:s1+s17], $0x80, s13, s17, $0xb8;
	[tilespmem:$0x2C00] =	vst v63  }
0x29: {  	s28 =	sshrl.u32 s12, $0x3;
	_ =	swait.ge [sflag:s20], $0x1000  }
0x2a: {  	s26 =	sadd.s32 $0x100, s13;
	s29 =	sadd.s32 s4, s28;
	[sflag:s20] =	ssyncset.done $0x0  }
0x2b: {  	s28 =	sadd.s32 $0x40000, s12;
	s25 =	simm.s32 $0x8000;
	[sflag:s20] =	ssyncadd.s32 $0xFFFFF000  }
.LBB2_2:
0x2c: {  	[hbm4b:s29+s2] =	stream.linear.scatter [tilespmem:s18], [sflag:$0x3], $0x1000, $0x38;
	[tilespmem:$0x2C00] =	vst v63  }
0x2d: {  	s29 =	smov.u32 s25  }
0x2e: {  	p0 =	sne.s32 s25, $0x50000;
	s25 =	sadd.s32 $0x8000, s25;
	_ =	swait.ge [sflag:s21], $0x1000  }
0x2f: {  	[sflag:s21] =	ssyncset.done $0x0  }
0x30: {  	s30 =	sadd.s32 $0xFFFFFF80, s26;
	[sflag:s21] =	ssyncadd.s32 $0xFFFFF000  }
0x31: {  	[tilespmem:s18], [sflag:$0x1] =	stream.indirect.gather [hbm4b:s1+s17], $0x80, s30, s17, $0xb8;
	[tilespmem:$0x2C00] =	vst v63  }
0x32: {  	_ =	swait.ge [sflag:s22], $0x1000  }
0x33: {  	[sflag:s22] =	ssyncset.done $0x0  }
0x34: {  	s29 =	sadd.s32 s29, s11;
	[sflag:s22] =	ssyncadd.s32 $0xFFFFF000  }
0x35: {  	[hbm4b:s29+s2] =	stream.linear.scatter [tilespmem:s19], [sflag:$0x4], $0x1000, $0x38;
	[tilespmem:$0x2C00] =	vst v63  }
0x36: {  	_ =	swait.ge [sflag:s23], $0x1000  }
0x37: {  	[sflag:s23] =	ssyncset.done $0x0  }
.Ltmp0:
0x38: {  	[sflag:s23] =	ssyncadd.s32 $0xFFFFF000;
	(pc) =	sbr.rel @p0 .LBB2_2-.Ltmp0, $4  }
0x39: {  	[tilespmem:s19], [sflag:$0x2] =	stream.indirect.gather [hbm4b:s1+s17], $0x80, s26, s17, $0xb8;
	[tilespmem:$0x2C00] =	vst v63  }
0x3a: {  	_ =	swait.ge [sflag:s20], $0x1000  }
0x3b: {  	s29 =	sshrl.u32 s28, $0x3;
	s26 =	sadd.s32 $0x100, s26;
	[sflag:s20] =	ssyncset.done $0x0  }
0x3c: {  	s28 =	sadd.s32 $0x40000, s28;
	s29 =	sadd.s32 s4, s29;
	[sflag:s20] =	ssyncadd.s32 $0xFFFFF000  }
0x3d: {  	[hbm4b:s29+s2] =	stream.linear.scatter [tilespmem:s18], [sflag:$0x3], $0x1000, $0x38;
	[tilespmem:$0x2C00] =	vst v63  }
0x3e: {  	_ =	swait.ge [sflag:s22], $0x1000  }
0x3f: {  	[sflag:s22] =	ssyncset.done $0x0  }
0x40: {  	s24 =	sadd.s32 $0x1, s24;
	[sflag:s22] =	ssyncadd.s32 $0xFFFFF000  }
0x41: {  	[hbm4b:s9+s2] =	stream.linear.scatter [tilespmem:s19], [sflag:$0x4], $0x1000, $0x38;
	[tilespmem:$0x2C00] =	vst v63  }
0x42: {  	p0 =	sne.s32 s24, s10;
	_ =	swait.ge [sflag:s21], $0x1000  }
.Ltmp1:
0x43: {  	[sflag:s21] =	ssyncset.done $0x0;
	(pc) =	sbr.rel @p0 .LBB2_1-.Ltmp1, $4  }
0x44: {  	[sflag:s21] =	ssyncadd.s32 $0xFFFFF000  }
0x45: {  	_ =	swait.ge [sflag:s23], $0x1000  }
0x46: {  	[sflag:s23] =	ssyncset.done $0x0  }
0x47: {  	[sflag:s23] =	ssyncadd.s32 $0xFFFFF000  }
0x48: {  	_ =	sfence.sel $0x180000  }
0x49: {  	[bflag:$0x0] =	sbarrier.arrive $0xFFFF  }
0x4a: {  	p0 =	sne.s32 s3, $0x0;
	_ =	strace $0x90000047  }
0x4b: {  	s0 =	sadd.s32 @!p0 $0x100000, s0;
	[bflag:$0x2] =	sbarrier.arrive $0xFFFF  }
0x4c: {  	[sflag:s0] =	ssyncadd.tile.s32 @!p0 $0x1;
	_ =	shalt  }
.Lfunc_end2:
_tile_overlayer_lowered:
.L_overlay_start_2:
0x4d: {  	(tag) =	ssettag $0x2  }
0x4e: {  	s0 =	rddreg [dreg:$0x0];
	s2 =	stileid.u32  }
0x4f: {  	s1 =	rddreg [dreg:$0x1];
	p0 =	sne.s32 s2, $0x0  }
0x50: {  	s3 =	rddreg [dreg:$0x2];
	[bflag:$0x3] =	sbarrier.arrive $0xFFFF;
	s2 =	simm.s32 @!p0 $0x1C05  }
0x51: {  	[timem:s3], [sflag:s2] =	dma.local @!p0 [hbm:s0], s1  }
0x52: {  	s0 =	simm.s32 @!p0 $0x5  }
0x53: {  	_ =	swait.ge @!p0 [sflag:s0], s1  }
0x54: {  	s1 =	ssub.s32 @!p0 $0x0, s1;
	[sflag:s0] =	ssyncset.done @!p0 $0x0  }
0x55: {  	[sflag:s0] =	ssyncadd.s32 @!p0 s1  }
0x56: {  	[bflag:$0x3] =	sbarrier.arrive $0xFFFF  }
0x57: {  	_ =	shalt  }

// kernel: kernel.9.cloned.1.call-start
scs
__scs_entry_jumppad:
0x0: {  	(pc) =	sbr.rel $0x88, $3  }
0x1: {  	(tag) =	ssettag $0x0;
	lr =	simm.s32 $0x1  }
0x2: {  	[smem:$0x3F9D] =	sst lr;
	_ =	strace $0xD0000000  }
0x3: {  	_ = 	snop  }
0x4: {  	_ = 	snop  }
0x5: {  	_ = 	snop  }
0x6: {  	_ = 	snop  }
0x7: {  	_ = 	snop  }
__scs_overlays_trampoline_lowered:
0x8: {  	[smem:$0x3FAC] =	sst s0  }
0x9: {  	[smem:$0x3FAD] =	sst s1  }
0xa: {  	[smem:$0x3FAE] =	sst s2  }
0xb: {  	[smem:$0x3FAF] =	sst s3  }
0xc: {  	[smem:$0x3FB0] =	sst s4  }
0xd: {  	[smem:$0x3FB1] =	sst s5  }
0xe: {  	[smem:$0x3FB2] =	sst s6  }
0xf: {  	[smem:$0x3FB3] =	sst s7  }
0x10: {  	[smem:$0x3FB4] =	sst s8  }
0x11: {  	[smem:$0x3FB5] =	sst s9;
	s0 =	simm.s32 @!p0 $0x0  }
0x12: {  	s1 =	sld [smem:$0x3F9B];
	s0 =	simm.s32 @p0 $0x1  }
0x13: {  	[smem:$0x3FB6] =	sst s0;
	s0 =	simm.s32 @!p1 $0x0  }
0x14: {  	s2 =	sld [smem:$0x3F9A];
	s0 =	simm.s32 @p1 $0x1  }
0x15: {  	[smem:$0x3FB7] =	sst s0;
	s0 =	simm.s32 @!p2 $0x0  }
0x16: {  	s3 =	sld [smem:$0x3FDB];
	s0 =	simm.s32 @p2 $0x1  }
0x17: {  	s4 =	simm.s32 $0x1BF5;
	[smem:$0x3FB9] =	sst s0  }
0x18: {  	s0 =	sld [smem:$0x3F9C];
	_ =	swait.ge [sflag:s4], $0x0  }
0x19: {  	s7 =	sld [smem:$0x3F9D]  }
0x1a: {  	s8 =	sadd.s32 $0xFFFFE003, lr  }
0x1b: {  	s9 =	sadd.s32 $0xFFFFFEF7, lr;
	s5 =	simm.s32 $0xFFFFFFFF;
	p2 =	slt.u32 s8, $0xFFFFF086  }
0x1c: {  	p1 =	slt.u32 s9, $0xF7A;
	s5 =	simm.s32 @!p2 $0x0  }
0x1d: {  	s5 =	simm.s32 @p1 $0x1;
	p0 =	seq.s32 s7, s2  }
0x1e: {  	s7 =	smul.u32 @!p0 $0xF7A, s2;
	p2 =	seq.s32 @!p0 s5, $0x0  }
0x1f: {  	s9 =	smul.u32 $0xF7A, s1;
	s8 =	simm.s32 @!p0 $0x1BF5;
	p2 =	por !p2, p0  }
0x20: {  	[sflag:s8] =	ssyncset.s32 @!p0 $0xFFFFF086;
	s6 =	sadd.s32 @!p0 s3, s7;
	s7 =	simm.s32 @!p0 $0x108  }
0x21: {  	s3 =	sadd.s32 s3, s9;
	s6 =	sadd.s32 @!p0 $0x88, s6;
	s7 =	simm.s32 @p2 $0x1082  }
0x22: {  	[simem:s7], [sflag:s8] =	dma.local @!p0 [hbm:s6], $0xF7A  }
0x23: {  	s9 =	sor.u32 $0xD0000000, s2;
	s6 =	simm.s32 $0x108;
	_ =	swait.ge @!p0 [sflag:s8], $0x0  }
0x24: {  	s3 =	sadd.s32 $0x88, s3;
	s6 =	simm.s32 @!p1 $0x1082;
	[sflag:s4] =	ssyncset.s32 $0xFFFFF086  }
0x25: {  	[simem:s6], [sflag:s4] =	dma.local [hbm:s3], $0xF7A  }
0x26: {  	[smem:$0x3F9D] =	sst s1;
	(tag) =	ssettag s2;
	_ =	strace s9  }
0x27: {  	s1 =	sld [smem:$0x3FAD]  }
0x28: {  	s2 =	sld [smem:$0x3FAE]  }
0x29: {  	s4 =	sld [smem:$0x3FB0]  }
0x2a: {  	p0 =	seq.s32 s5, $0x0;
	s5 =	sld [smem:$0x3FB1]  }
0x2b: {  	s6 =	sld [smem:$0x3FB2]  }
0x2c: {  	s7 =	sld [smem:$0x3FB3]  }
0x2d: {  	s3 =	simm.s32 $0x108;
	s8 =	sld [smem:$0x3FB4]  }
0x2e: {  	s3 =	simm.s32 @!p0 $0x1082;
	s9 =	sld [smem:$0x3FB5]  }
0x2f: {  	lr =	sadd.s32 s0, s3;
	s0 =	sld [smem:$0x3FAC]  }
0x30: {  	s3 =	sld [smem:$0x3FAF]  }
0x31: {  	[smem:$0x3FB8] =	sst s10  }
0x32: {  	s10 =	sld [smem:$0x3FB6];
	_ =	sdelay $0x3  }
0x33: {  	p0 =	seq.s32 s10, $0x1;
	s10 =	sld [smem:$0x3FB8];
	_ =	sdelay $0x3  }
0x34: {  	[smem:$0x3FB8] =	sst s10  }
0x35: {  	s10 =	sld [smem:$0x3FB7];
	_ =	sdelay $0x3  }
0x36: {  	p1 =	seq.s32 s10, $0x1;
	s10 =	sld [smem:$0x3FB8];
	_ =	sdelay $0x3  }
0x37: {  	[smem:$0x3FB8] =	sst s10  }
0x38: {  	s10 =	sld [smem:$0x3FB9]  }
0x39: {  	_ = 	snop;
	(pc) =	sbr.ind lr, $3  }
0x3a: {  	_ = 	snop  }
0x3b: {  	_ = 	snop  }
0x3c: {  	p2 =	seq.s32 s10, $0x1;
	s10 =	sld [smem:$0x3FB8]  }
0x3d: {  	_ =	shalt  }
0x3e: {  	_ =	shalt  }
0x3f: {  	_ =	shalt  }
0x40: {  	_ =	shalt  }
0x41: {  	_ =	shalt  }
0x42: {  	_ =	shalt  }
0x43: {  	_ =	shalt  }
0x44: {  	_ =	shalt  }
0x45: {  	_ =	shalt  }
0x46: {  	_ =	shalt  }
0x47: {  	_ =	shalt  }
0x48: {  	_ =	shalt  }
0x49: {  	_ =	shalt  }
0x4a: {  	_ =	shalt  }
0x4b: {  	_ =	shalt  }
0x4c: {  	_ =	shalt  }
0x4d: {  	_ =	shalt  }
0x4e: {  	_ =	shalt  }
0x4f: {  	_ =	shalt  }
0x50: {  	_ =	shalt  }
0x51: {  	_ =	shalt  }
0x52: {  	_ =	shalt  }
0x53: {  	_ =	shalt  }
0x54: {  	_ =	shalt  }
0x55: {  	_ =	shalt  }
0x56: {  	_ =	shalt  }
0x57: {  	_ =	shalt  }
0x58: {  	_ =	shalt  }
0x59: {  	_ =	shalt  }
0x5a: {  	_ =	shalt  }
0x5b: {  	_ =	shalt  }
0x5c: {  	_ =	shalt  }
0x5d: {  	_ =	shalt  }
0x5e: {  	_ =	shalt  }
0x5f: {  	_ =	shalt  }
0x60: {  	_ =	shalt  }
0x61: {  	_ =	shalt  }
0x62: {  	_ =	shalt  }
0x63: {  	_ =	shalt  }
0x64: {  	_ =	shalt  }
0x65: {  	_ =	shalt  }
0x66: {  	_ =	shalt  }
0x67: {  	_ =	shalt  }
0x68: {  	_ =	shalt  }
0x69: {  	_ =	shalt  }
0x6a: {  	_ =	shalt  }
0x6b: {  	_ =	shalt  }
0x6c: {  	_ =	shalt  }
0x6d: {  	_ =	shalt  }
0x6e: {  	_ =	shalt  }
0x6f: {  	_ =	shalt  }
0x70: {  	_ =	shalt  }
0x71: {  	_ =	shalt  }
0x72: {  	_ =	shalt  }
0x73: {  	_ =	shalt  }
0x74: {  	_ =	shalt  }
0x75: {  	_ =	shalt  }
0x76: {  	_ =	shalt  }
0x77: {  	_ =	shalt  }
0x78: {  	_ =	shalt  }
0x79: {  	_ =	shalt  }
0x7a: {  	_ =	shalt  }
0x7b: {  	_ =	shalt  }
0x7c: {  	_ =	shalt  }
0x7d: {  	_ =	shalt  }
0x7e: {  	_ =	shalt  }
0x7f: {  	_ =	shalt  }
0x80: {  	_ =	shalt  }
0x81: {  	_ =	shalt  }
0x82: {  	_ =	shalt  }
0x83: {  	_ =	shalt  }
0x84: {  	_ =	shalt  }
0x85: {  	_ =	shalt  }
0x86: {  	_ =	shalt  }
0x87: {  	_ =	shalt  }
.Lfunc_end0:
.L_simem_size_0:
called_computation.1_lowered:
.L_overlay_start_0:
0x88: {  	s2 =	sld [smem:$0x3FD9]  }
0x89: {  	s3 =	sld [smem:$0x3FFE];
	_ =	sdelay $0x1  }
0x8a: {  	s1 =	srdreg.scid  }
0x8b: {  	s0 =	sand.u32 $0x1, s1  }
0x8c: {  	s17 =	sshll.u32 s0, $0xA;
	s2 =	sadd.s32 s3, s2  }
0x8d: {  	s2 =	sadd.s32 s2, s17  }
0x8e: {  	[smem:$0x3FC4] =	sst s2  }
0x8f: {  	_ = 	snop  }
0x90: {  	s18 =	sld [smem:$0x3FC9]  }
0x91: {  	s4 =	sld [smem:$0x3FC8];
	(tm) =	ssettm $0x1  }
0x92: {  	s19 =	sld [smem:$0x3FFB];
	_ =	sdelay $0x3  }
0x93: {  	_ =	strace s19  }
0x94: {  	s2 =	sld [smem:$0x3FFC];
	_ =	sdelay $0x3  }
0x95: {  	_ =	strace s2  }
0x96: {  	s2 =	sld [smem:$0x3FFD];
	_ =	sdelay $0x3  }
0x97: {  	_ =	strace s2  }
0x98: {  	_ =	strace $0x8FFFFFFF  }
0x99: {  	s20 =	sld [smem:$0x3FDB];
	_ =	sdelay $0x1  }
0x9a: {  	s5 =	simm.s32 $_scs_section_size  }
0x9b: {  	s6 =	simm.s32 $_size__tile_overlayer_lowered;
	s7 =	simm.s32 $_tile_overlayer_lowered  }
0x9c: {  	s8 =	simm.s32 $0x1BFF;
	s21 =	sshll.u32 s7, $0x1;
	s5 =	sadd.s32 s5, s20  }
0x9d: {  	s22 =	simm.s32 $0x0;
	s6 =	sshll.u32 s6, $0x1;
	s7 =	sadd.s32 s21, s5  }
0x9e: {  	[timem:s22], [sflag:s8] =	dma.local [hbm:s7], s6  }
0x9f: {  	_ =	swait.ge [sflag:s8], s6  }
0xa0: {  	s6 =	ssub.s32 $0x0, s6;
	[sflag:s8] =	ssyncset.done $0x0  }
0xa1: {  	[sflag:s8] =	ssyncadd.s32 s6;
	_ =	sdelay $0x1  }
0xa2: {  	s23 =	simm.s32 $0x1B8B  }
0xa3: {  	_ =	swait.ge [sflag:s23], $0x1  }
0xa4: {  	[sflag:s23] =	ssyncset.done $0x0  }
0xa5: {  	[sflag:s23] =	ssyncadd.s32 $0xFFFFFFFF  }
0xa6: {  	s6 =	sld [smem:$0x0]  }
0xa7: {  	s7 =	sand.u32 $0xFFFFFFFE, s1  }
0xa8: {  	p0 =	sne.s32 s1, s7  }
0xa9: {  	s7 =	sshll.u32 @p0 s7, $0xE  }
0xaa: {  	s7 =	sadd.s32 @p0 $0x11B8D, s7;
	s8 =	sshll.u32 @p0 s6, $0x11  }
0xab: {  	s7 =	sor.u32 @p0 s8, s7  }
0xac: {  	[sflag:s7] =	ssyncadd.remote.s32 @p0 $0x1;
	_ =	sdelay $0x1  }
0xad: {  	s7 =	simm.s32 @p0 $0x1B8D  }
0xae: {  	_ =	swait.eq @p0 [sflag:s7], $0x1  }
0xaf: {  	[sflag:s7] =	ssyncadd.s32 @p0 $0xFFFFFFFF  }
0xb0: {  	s8 =	sshll.u32 @!p0 s1, $0xE  }
0xb1: {  	s8 =	sor.u32 @!p0 $0x4000, s8;
	s7 =	simm.s32 @!p0 $0x1B8D  }
0xb2: {  	s6 =	sshll.u32 @!p0 s6, $0x11;
	s8 =	sadd.s32 @!p0 $0x11B8D, s8;
	_ =	swait.eq @!p0 [sflag:s7], $0x1  }
0xb3: {  	s6 =	sor.u32 @!p0 s6, s8;
	[sflag:s7] =	ssyncadd.s32 @!p0 $0xFFFFFFFF  }
0xb4: {  	s25 =	simm.s32 $0x1B8E;
	s24 =	sld [smem:$0x3FFE];
	[sflag:s6] =	ssyncadd.remote.s32 @!p0 $0x1  }
0xb5: {  	s26 =	simm.s32 $execute0_lowered;
	[smem:$0x3FD2] =	sst s25  }
0xb6: {  	s7 =	sshll.u32 s26, $0x1;
	_ =	strace $0x80000049;
	[dreg:$0x1] =	wrdreg $0xFFFFFFFF  }
0xb7: {  	s28 =	simm.s32 $_size_execute0_lowered;
	s5 =	sadd.s32 s5, s7;
	[dreg:$0x0] =	wrdreg $0x0  }
0xb8: {  	s7 =	sshll.u32 s28, $0x1;
	[dreg:$0x2] =	wrdreg s5  }
0xb9: {  	[dreg:$0x3] =	wrdreg s7  }
0xba: {  	[dreg:$0x4] =	wrdreg $0xC0  }
0xbb: {  	_ =	task [dreg:s22], $0x5FFFF  }
0xbc: {  	[dreg:$0x1] =	wrdreg $0xFFFFFFFF  }
0xbd: {  	[dreg:$0x0] =	wrdreg $0x60  }
0xbe: {  	[dreg:$0x2] =	wrdreg s4  }
0xbf: {  	[dreg:$0x3] =	wrdreg s18  }
0xc0: {  	[dreg:$0x4] =	wrdreg s24  }
0xc1: {  	[dreg:$0x5] =	wrdreg $0xA  }
0xc2: {  	_ =	task.clear_ibuf [dreg:s22], $0x6FFFF;
	_ =	strace $0x90000049  }
0xc3: {  	s29 =	simm.s32 $0xA;
	_ =	strace $0x8000004B  }
0xc4: {  	_ =	swait.ge [sflag:s29], $0x1  }
0xc5: {  	[sflag:s29] =	ssyncadd.s32 $0xFFFFFFFF  }
0xc6: {  	_ =	strace $0x9000004B  }
0xc7: {  	_ =	sfence  }
0xc8: {  	s30 =	sld [smem:$0x0];
	_ =	sdelay $0x2  }
0xc9: {  	s31 =	sshll.u32 s1, $0xD;
	s1 =	sshrl.u32 s1, $0x2  }
0xca: {  	s4 =	sand.u32 $0x4000, s31;
	s1 =	sadd.s32 s1, s30  }
0xcb: {  	s0 =	sor.u32 s4, s0;
	s1 =	sshll.u32 s1, $0x11  }
0xcc: {  	s0 =	sor.u32 s1, s0  }
0xcd: {  	s0 =	sadd.s32 $0x8F2B, s0  }
0xce: {  	[sflag:s0] =	ssyncadd.remote.s32 $0x1  }
0xcf: {  	_ =	sfence.sel $0xFFFF  }
0xd0: {  	[dreg:$0x0] =	wrdreg $0xFFFFFFFF;
	(pc) =	sbr.abs _section_cstart, $3  }
0xd1: {  	[dreg:$0x1] =	wrdreg $0xFFFFFFFF  }
0xd2: {  	_ =	task.clear_ibuf [dreg:s22], $0x2FFFF;
	_ =	strace $0x9FFFFFFF  }
0xd3: {  	(tm) =	ssettm $0x7FFFFFFF  }
tec
execute0_lowered:
.L_overlay_start_1:
0x0: {  	(tag) =	ssettag $0x1  }
0x1: {  	s1 =	rddreg [dreg:$0x0]  }
0x2: {  	s5 =	rddreg [dreg:$0x1]  }
0x3: {  	s4 =	rddreg [dreg:$0x2]  }
0x4: {  	s0 =	rddreg [dreg:$0x3]  }
0x5: {  	s3 =	simm.s32 $0x0;
	s6 =	srdreg.scid;
	s2 =	stileid.u32  }
0x6: {  	s15 =	simm.s32 $0x400;
	s16 =	simm.s32 $0x2000;
	s17 =	simm.s32 $0xC00  }
0x7: {  	s18 =	simm.s32 $0x5;
	s19 =	simm.s32 $0x20;
	s20 =	simm.s32 $0x1000  }
0x8: {  	s21 =	simm.s32 $0x1;
	s22 =	simm.s32 $0x3;
	s23 =	simm.s32 $0x2  }
0x9: {  	s24 =	simm.s32 $0x4;
	[smem:$0x7FF] =	sst s3;
	s6 =	sand.u32 $0x1, s6  }
0xa: {  	s4 =	sadd.s32 $0x60800, s4;
	s8 =	sshll.u32 s2, $0x6;
	s28 =	sshll.u32 s2, $0xD  }
0xb: {  	_ =	strace $0x8000004A;
	s7 =	ssub.s32 $0x2, s6;
	s10 =	sshll.u32 s6, $0x5  }
0xc: {  	s11 =	sand.u32 $0x380, s8;
	s29 =	sshll.u32 s6, $0xC;
	s9 =	sshrl.u32 s7, $0x1  }
0xd: {  	s25 =	sor.u32 s10, s8;
	s26 =	sadd.s32 s11, s5;
	s13 =	sor.u32 s29, s28  }
0xe: {  	s12 =	ssub.s32 s7, s9;
	s5 =	sadd.s32 $0xC00, s26;
	s6 =	sadd.s32 $0x1800, s26  }
0xf: {  	s30 =	sshll.u32 s25, $0x4;
	s7 =	sand.u32 $0x60, s25;
	s31 =	sor.u32 $0x20000, s13  }
0x10: {  	s13 =	sor.u32 $0x40000, s13;
	s25 =	simm.s32 $0x0;
	s8 =	sadd.s32 s4, s30  }
0x11: {  	s9 =	sor.u32 $0x80, s7;
	s14 =	sshrl.u32 s31, $0x3;
	s11 =	smax.u32 s12, $0x1  }
0x12: {  	s10 =	sadd.s32 $0x64000, s8;
	s12 =	sadd.s32 s14, s4;
	s14 =	sor.u32 $0x180, s7  }
.LBB2_1:
0x13: {  	[tilespmem:s3], [sflag:$0x5] =	stream.strided.gather [hbm4b:s5+s15], $0xC00, s16, s15, $0x38;
	[tilespmem:$0x3000] =	vst v63  }
0x14: {  	_ = 	snop  }
0x15: {  	[tilespmem:s17], [sflag:$0x5] =	stream.linear.gather [hbm4b:s6+s3], $0x100, $0x38;
	[tilespmem:$0x3000] =	vst v63  }
0x16: {  	_ =	swait.ge [sflag:s18], $0xD00  }
0x17: {  	[sflag:s18] =	ssyncset.done $0x0  }
0x18: {  	[sflag:s18] =	ssyncadd.s32 $0xFFFFF300  }
0x19: {  	[tilespmem:s20], [sflag:$0x1] =	stream.indirect.gather [hbm4b:s1+s19], $0x80, s7, s19, $0xb8;
	[tilespmem:$0x3000] =	vst v63  }
0x1a: {  	_ = 	snop  }
0x1b: {  	[tilespmem:s16], [sflag:$0x2] =	stream.indirect.gather [hbm4b:s1+s19], $0x80, s9, s19, $0xb8;
	[tilespmem:$0x3000] =	vst v63  }
0x1c: {  	_ =	swait.ge [sflag:s21], $0x1000  }
0x1d: {  	[sflag:s21] =	ssyncset.done $0x0  }
0x1e: {  	[sflag:s21] =	ssyncadd.s32 $0xFFFFF000  }
0x1f: {  	[hbm4b:s8+s3] =	stream.linear.scatter [tilespmem:s20], [sflag:$0x3], $0x1000, $0x38;
	[tilespmem:$0x3000] =	vst v63  }
0x20: {  	_ =	swait.ge [sflag:s22], $0x1000  }
0x21: {  	[sflag:s22] =	ssyncset.done $0x0  }
0x22: {  	s26 =	sadd.s32 $0xFFFFFF80, s14;
	[sflag:s22] =	ssyncadd.s32 $0xFFFFF000  }
0x23: {  	[tilespmem:s20], [sflag:$0x1] =	stream.indirect.gather [hbm4b:s1+s19], $0x80, s26, s19, $0xb8;
	[tilespmem:$0x3000] =	vst v63  }
0x24: {  	_ =	swait.ge [sflag:s23], $0x1000  }
0x25: {  	[sflag:s23] =	ssyncset.done $0x0  }
0x26: {  	s31 =	sadd.s32 $0x0, s12;
	[sflag:s23] =	ssyncadd.s32 $0xFFFFF000  }
0x27: {  	[hbm4b:s31+s3] =	stream.linear.scatter [tilespmem:s16], [sflag:$0x4], $0x1000, $0x38;
	[tilespmem:$0x3000] =	vst v63  }
0x28: {  	_ =	swait.ge [sflag:s24], $0x1000  }
0x29: {  	[sflag:s24] =	ssyncset.done $0x0  }
0x2a: {  	[sflag:s24] =	ssyncadd.s32 $0xFFFFF000  }
0x2b: {  	[tilespmem:s16], [sflag:$0x2] =	stream.indirect.gather [hbm4b:s1+s19], $0x80, s14, s19, $0xb8;
	[tilespmem:$0x3000] =	vst v63  }
0x2c: {  	s29 =	sshrl.u32 s13, $0x3;
	_ =	swait.ge [sflag:s21], $0x1000  }
0x2d: {  	s28 =	sadd.s32 $0x100, s14;
	s30 =	sadd.s32 s4, s29;
	[sflag:s21] =	ssyncset.done $0x0  }
0x2e: {  	s29 =	sadd.s32 $0x40000, s13;
	s26 =	simm.s32 $0x8000;
	[sflag:s21] =	ssyncadd.s32 $0xFFFFF000  }
.LBB2_2:
0x2f: {  	[hbm4b:s30+s3] =	stream.linear.scatter [tilespmem:s20], [sflag:$0x3], $0x1000, $0x38;
	[tilespmem:$0x3000] =	vst v63  }
0x30: {  	s30 =	smov.u32 s26  }
0x31: {  	p0 =	sne.s32 s26, $0x58000;
	s26 =	sadd.s32 $0x8000, s26;
	_ =	swait.ge [sflag:s22], $0x1000  }
0x32: {  	[sflag:s22] =	ssyncset.done $0x0  }
0x33: {  	s31 =	sadd.s32 $0xFFFFFF80, s28;
	[sflag:s22] =	ssyncadd.s32 $0xFFFFF000  }
0x34: {  	[tilespmem:s20], [sflag:$0x1] =	stream.indirect.gather [hbm4b:s1+s19], $0x80, s31, s19, $0xb8;
	[tilespmem:$0x3000] =	vst v63  }
0x35: {  	_ =	swait.ge [sflag:s23], $0x1000  }
0x36: {  	[sflag:s23] =	ssyncset.done $0x0  }
0x37: {  	s30 =	sadd.s32 s30, s12;
	[sflag:s23] =	ssyncadd.s32 $0xFFFFF000  }
0x38: {  	[hbm4b:s30+s3] =	stream.linear.scatter [tilespmem:s16], [sflag:$0x4], $0x1000, $0x38;
	[tilespmem:$0x3000] =	vst v63  }
0x39: {  	_ =	swait.ge [sflag:s24], $0x1000  }
0x3a: {  	[sflag:s24] =	ssyncset.done $0x0  }
.Ltmp0:
0x3b: {  	[sflag:s24] =	ssyncadd.s32 $0xFFFFF000;
	(pc) =	sbr.rel @p0 .LBB2_2-.Ltmp0, $4  }
0x3c: {  	[tilespmem:s16], [sflag:$0x2] =	stream.indirect.gather [hbm4b:s1+s19], $0x80, s28, s19, $0xb8;
	[tilespmem:$0x3000] =	vst v63  }
0x3d: {  	_ =	swait.ge [sflag:s21], $0x1000  }
0x3e: {  	s30 =	sshrl.u32 s29, $0x3;
	s28 =	sadd.s32 $0x100, s28;
	[sflag:s21] =	ssyncset.done $0x0  }
0x3f: {  	s29 =	sadd.s32 $0x40000, s29;
	s30 =	sadd.s32 s4, s30;
	[sflag:s21] =	ssyncadd.s32 $0xFFFFF000  }
0x40: {  	[hbm4b:s30+s3] =	stream.linear.scatter [tilespmem:s20], [sflag:$0x3], $0x1000, $0x38;
	[tilespmem:$0x3000] =	vst v63  }
0x41: {  	_ =	swait.ge [sflag:s23], $0x1000  }
0x42: {  	[sflag:s23] =	ssyncset.done $0x0  }
0x43: {  	s25 =	sadd.s32 $0x1, s25;
	[sflag:s23] =	ssyncadd.s32 $0xFFFFF000  }
0x44: {  	[hbm4b:s10+s3] =	stream.linear.scatter [tilespmem:s16], [sflag:$0x4], $0x1000, $0x38;
	[tilespmem:$0x3000] =	vst v63  }
0x45: {  	p0 =	sne.s32 s25, s11;
	_ =	swait.ge [sflag:s22], $0x1000  }
.Ltmp1:
0x46: {  	[sflag:s22] =	ssyncset.done $0x0;
	(pc) =	sbr.rel @p0 .LBB2_1-.Ltmp1, $4  }
0x47: {  	[sflag:s22] =	ssyncadd.s32 $0xFFFFF000  }
0x48: {  	_ =	swait.ge [sflag:s24], $0x1000  }
0x49: {  	[sflag:s24] =	ssyncset.done $0x0  }
0x4a: {  	[sflag:s24] =	ssyncadd.s32 $0xFFFFF000  }
0x4b: {  	_ =	sfence.sel $0x180000  }
0x4c: {  	[bflag:$0x0] =	sbarrier.arrive $0xFFFF  }
0x4d: {  	p0 =	sne.s32 s2, $0x0;
	_ =	strace $0x9000004A  }
0x4e: {  	s0 =	sadd.s32 @!p0 $0x100000, s0;
	[bflag:$0x2] =	sbarrier.arrive $0xFFFF  }
0x4f: {  	[sflag:s0] =	ssyncadd.tile.s32 @!p0 $0x1;
	_ =	shalt  }
.Lfunc_end2:
_tile_overlayer_lowered:
.L_overlay_start_2:
0x50: {  	(tag) =	ssettag $0x2  }
0x51: {  	s0 =	rddreg [dreg:$0x0];
	s2 =	stileid.u32  }
0x52: {  	s1 =	rddreg [dreg:$0x1];
	p0 =	sne.s32 s2, $0x0  }
0x53: {  	s3 =	rddreg [dreg:$0x2];
	[bflag:$0x3] =	sbarrier.arrive $0xFFFF;
	s2 =	simm.s32 @!p0 $0x1C05  }
0x54: {  	[timem:s3], [sflag:s2] =	dma.local @!p0 [hbm:s0], s1  }
0x55: {  	s0 =	simm.s32 @!p0 $0x5  }
0x56: {  	_ =	swait.ge @!p0 [sflag:s0], s1  }
0x57: {  	s1 =	ssub.s32 @!p0 $0x0, s1;
	[sflag:s0] =	ssyncset.done @!p0 $0x0  }
0x58: {  	[sflag:s0] =	ssyncadd.s32 @!p0 s1  }
0x59: {  	[bflag:$0x3] =	sbarrier.arrive $0xFFFF  }
0x5a: {  	_ =	shalt  }

</sc_bundles>
